<compile_context>
chip_gen: v7x
topology: tpu7x:2x2x1
jax: 0.10.2.dev20260603
libtpu: 0.0.44.dev20260713+nightly
codegen_flags: <defaults>
</compile_context>

<pallas_src>
import functools

import jax
import jax.numpy as jnp
from jax import lax
from jax.experimental import pallas as pl
from jax.experimental.pallas import tpu as pltpu
from jax.experimental.pallas import tpu_sc as plsc

_NC = 2
_NS = 16
_NW = _NC * _NS
_L = 16


def _sc_pair_dots(src_flat, tgt_flat, idx_all):
    R, D = src_flat.shape
    P = idx_all.shape[0] // 2
    ppw = P // _NW
    assert ppw == _L and P % (8 * _NW) == 0

    mesh = plsc.VectorSubcoreMesh(core_axis_name="c", subcore_axis_name="s")
    vec_f32 = jax.ShapeDtypeStruct((P,), jnp.float32)

    @functools.partial(
        pl.kernel,
        out_type=[vec_f32, vec_f32, vec_f32],
        mesh=mesh,
        compiler_params=pltpu.CompilerParams(
            use_tc_tiling_on_sc=True, needs_layout_passes=False),
        scratch_types=[
            pltpu.VMEM((ppw,), jnp.int32),
            pltpu.VMEM((ppw,), jnp.int32),
            pltpu.VMEM((ppw, D), jnp.float32),
            pltpu.VMEM((ppw, D), jnp.float32),
            pltpu.VMEM((ppw,), jnp.float32),
            pltpu.VMEM((ppw,), jnp.float32),
            pltpu.VMEM((ppw,), jnp.float32),
            pltpu.SemaphoreType.DMA,
            pltpu.SemaphoreType.DMA,
        ],
    )
    def sc_kernel(src_hbm, tgt_hbm, idx_hbm,
                  num_hbm, ss_hbm, tt_hbm,
                  idx_s, idx_t, srows, trows, num_v, ss_v, tt_v,
                  sem_s, sem_t):
        wid = lax.axis_index("s") * _NC + lax.axis_index("c")
        base = wid * ppw
        pltpu.sync_copy(idx_hbm.at[pl.ds(base, ppw)], idx_s)
        pltpu.sync_copy(idx_hbm.at[pl.ds(P + base, ppw)], idx_t)
        cs = pltpu.async_copy(src_hbm.at[idx_s], srows, sem_s)
        ct = pltpu.async_copy(tgt_hbm.at[idx_t], trows, sem_t)
        cs.wait()
        ct.wait()

        lanes = lax.iota(jnp.int32, _L)
        UNROLL = 8
        NACC = 4

        MAIN = D - _L

        def step(accs, dcol, u):
            vs = plsc.load_gather(srows, [lanes, dcol])
            vt = plsc.load_gather(trows, [lanes, dcol])
            an, ass, att = accs[u % NACC]
            accs[u % NACC] = (an + vs * vt, ass + vs * vs, att + vt * vt)
            return accs

        def body(c, carry):
            accs = list(carry[0])
            dbase = carry[1]
            for u in range(UNROLL):
                accs = step(accs, dbase + u, u)
            return tuple(accs), dbase + UNROLL

        z = jnp.zeros((_L,), jnp.float32)
        accs, dbase = lax.fori_loop(
            0, MAIN // UNROLL, body,
            (tuple((z, z, z) for _ in range(NACC)), lanes))
        accs = list(accs)
        for u in range(_L):
            dcol = dbase + u
            dcol = jnp.where(dcol >= D, dcol - D, dcol)
            accs = step(accs, dcol, u)
        num_v[...] = sum((a[0] for a in accs[1:]), accs[0][0])
        ss_v[...] = sum((a[1] for a in accs[1:]), accs[0][1])
        tt_v[...] = sum((a[2] for a in accs[1:]), accs[0][2])
        pltpu.sync_copy(num_v, num_hbm.at[pl.ds(base, ppw)])
        pltpu.sync_copy(ss_v, ss_hbm.at[pl.ds(base, ppw)])
        pltpu.sync_copy(tt_v, tt_hbm.at[pl.ds(base, ppw)])

    return sc_kernel(src_flat, tgt_flat, idx_all)


def _tc_finish_body(num_ref, ss_ref, tt_ref, m_ref, out_ref):
    eps = jnp.float32(1e-8)
    num = num_ref[...]
    den = (jnp.maximum(jnp.sqrt(ss_ref[...]), eps) *
           jnp.maximum(jnp.sqrt(tt_ref[...]), eps))
    m = m_ref[...]
    loss = (1.0 - num / den) * m
    total = jnp.sum(loss)
    n_valid = jnp.sum(m)
    out_ref[0, 0] = jnp.where(
        n_valid > 0, total / jnp.maximum(n_valid, 1.0), jnp.float32(0.0))


def kernel(src_features, tgt_features, src_kps, tgt_kps, valid_mask, patch_size):
    B, H, W, D = src_features.shape
    N = src_kps.shape[1]
    P = B * N

    kps = jnp.stack([src_kps, tgt_kps])
    cell = (kps / patch_size).astype(jnp.int32)
    cx = jnp.clip(cell[..., 0], 0, W - 1)
    cy = jnp.clip(cell[..., 1], 0, H - 1)
    bvec = jnp.arange(B, dtype=jnp.int32)[None, :, None]
    idx_all = (bvec * (H * W) + cy * W + cx).reshape(2 * P)

    num, ss, tt = _sc_pair_dots(
        src_features.reshape(B * H * W, D),
        tgt_features.reshape(B * H * W, D),
        idx_all)

    mask_f = valid_mask.reshape(P).astype(jnp.float32)
    rows = P // 128
    out = pl.pallas_call(
        _tc_finish_body,
        out_shape=jax.ShapeDtypeStruct((1, 1), jnp.float32),
        out_specs=pl.BlockSpec(memory_space=pltpu.SMEM),
    )(num.reshape(rows, 128), ss.reshape(rows, 128),
      tt.reshape(rows, 128), mask_f.reshape(rows, 128))
    return out[0, 0]

# --- scband reference (transcript-rebuilt; emitter-appended) ---
"""Pipeline reference for scband-correspondence-loss-73735998537891 (READ-ONLY COPY).

The authoritative reference and input builder live on the scoring server;
editing this copy changes nothing except your own understanding.
"""

import jax, jax.numpy as jnp
import numpy as np


def setup_inputs(seed: int = 0) -> dict:
    key = jax.random.key(seed)
    k1, k2, k3, k4 = jax.random.split(key, 4)
    B, H, W, D = 8, 32, 32, 768
    N = 64
    src_features = jax.random.normal(k1, (B, H, W, D), dtype=jnp.float32)
    tgt_features = jax.random.normal(k2, (B, H, W, D), dtype=jnp.float32)
    src_kps = jax.random.randint(k3, (B, N, 2), 0, 512).astype(jnp.float32)
    tgt_kps = jax.random.randint(k4, (B, N, 2), 0, 512).astype(jnp.float32)
    valid_mask = jnp.ones((B, N), dtype=bool)
    patch_size = 16
    return {
        "src_features": src_features,
        "tgt_features": tgt_features,
        "src_kps": src_kps,
        "tgt_kps": tgt_kps,
        "valid_mask": valid_mask,
        "patch_size": patch_size,
    }


def reference(src_features, tgt_features, src_kps, tgt_kps, valid_mask, patch_size):
    # loss_type='cosine', temperature=0.1 (unused for cosine)
    B, H_s, W_s, D = src_features.shape
    H_t, W_t = tgt_features.shape[1], tgt_features.shape[2]
    # (kp / patch_size).long() -> truncation toward zero; values are non-negative here
    src_p = (src_kps / patch_size).astype(jnp.int32)
    tgt_p = (tgt_kps / patch_size).astype(jnp.int32)
    sx = jnp.clip(src_p[..., 0], 0, W_s - 1)
    sy = jnp.clip(src_p[..., 1], 0, H_s - 1)
    tx = jnp.clip(tgt_p[..., 0], 0, W_t - 1)
    ty = jnp.clip(tgt_p[..., 1], 0, H_t - 1)
    b_idx = jnp.arange(B)[:, None]
    src_vec = src_features[b_idx, sy, sx]  # (B, N, D) gather
    tgt_vec = tgt_features[b_idx, ty, tx]  # (B, N, D) gather
    eps = 1e-8
    num = jnp.sum(src_vec * tgt_vec, axis=-1)
    den = jnp.maximum(jnp.sqrt(jnp.sum(src_vec * src_vec, axis=-1)), eps) * \
          jnp.maximum(jnp.sqrt(jnp.sum(tgt_vec * tgt_vec, axis=-1)), eps)
    sim = num / den
    loss = 1.0 - sim  # (B, N)
    mask = valid_mask.astype(jnp.float32)
    n_valid = jnp.sum(mask)
    total = jnp.sum(loss * mask)
    return jnp.where(n_valid > 0, total / jnp.maximum(n_valid, 1.0), jnp.float32(0.0))

if __name__ == "__main__":
    import jax
    _d = setup_inputs()
    print(jax.jit(kernel)(*tuple(_d.values())))

</pallas_src>

<mosaic_0001>
#map = affine_map<(d0, d1) -> (0, 0)>
#map1 = affine_map<(d0, d1) -> (0)>
module attributes {stable_mosaic.version = 14 : i64} {
  func.func @sc_kernel(%arg0: i32, %arg1: i32, %arg2: memref<8192x768xf32, #tpu.memory_space<hbm>>, %arg3: memref<8192x768xf32, #tpu.memory_space<hbm>>, %arg4: memref<1024xi32, #tpu.memory_space<hbm>>, %arg5: memref<512xf32, #tpu.memory_space<hbm>>, %arg6: memref<512xf32, #tpu.memory_space<hbm>>, %arg7: memref<512xf32, #tpu.memory_space<hbm>>, %arg8: memref<16xi32, #tpu.memory_space<vmem>>, %arg9: memref<16xi32, #tpu.memory_space<vmem>>, %arg10: memref<16x768xf32, #tpu.memory_space<vmem>>, %arg11: memref<16x768xf32, #tpu.memory_space<vmem>>, %arg12: memref<16xf32, #tpu.memory_space<vmem>>, %arg13: memref<16xf32, #tpu.memory_space<vmem>>, %arg14: memref<16xf32, #tpu.memory_space<vmem>>, %arg15: memref<!tpu.dma_semaphore, #tpu.memory_space<semaphore_mem>>, %arg16: memref<!tpu.dma_semaphore, #tpu.memory_space<semaphore_mem>>) attributes {dimension_semantics = [#tpu.dimension_semantics<core_parallel>, #tpu.dimension_semantics<subcore_parallel>], iteration_bounds = array<i64: 2, 16>, scalar_prefetch = 0 : i64, scratch_operands = 9 : i64, tpu.core_type = #tpu.core_type<sc_vector_subcore>, window_params = [{transform_indices = #map}, {transform_indices = #map}, {transform_indices = #map1}, {transform_indices = #map1}, {transform_indices = #map1}, {transform_indices = #map1}]} {
    %mul3A = arith.constant 2 : i32
    %mul3A_0 = arith.muli %arg1, %mul3A : i32
    %add3A = arith.addi %mul3A_0, %arg0 : i32
    %mul3A_1 = arith.constant 16 : i32
    %mul3A_2 = arith.muli %add3A, %mul3A_1 : i32
    "tpu.region"() ({
      %run_scoped3A = tpu.sem_alloc : memref<!tpu.dma_semaphore, #tpu.memory_space<semaphore_mem>>
      %dma_start3A_319 = tpu.memref_slice %arg4[%mul3A_2] : memref<1024xi32, #tpu.memory_space<hbm>> -> memref<16xi32, #tpu.memory_space<hbm>>
      %dma_start3A_320 = tpu.memref_slice %arg4[%mul3A_2] : memref<1024xi32, #tpu.memory_space<hbm>> -> memref<16xi32, #tpu.memory_space<hbm>>
      tpu.enqueue_dma source(%dma_start3A_320 : memref<16xi32, #tpu.memory_space<hbm>>) target(%arg8 : memref<16xi32, #tpu.memory_space<vmem>>) target_semaphore(%run_scoped3A : memref<!tpu.dma_semaphore, #tpu.memory_space<semaphore_mem>>)
      %dma_wait3A_321 = tpu.memref_slice %arg4[%mul3A_2] : memref<1024xi32, #tpu.memory_space<hbm>> -> memref<16xi32, #tpu.memory_space<hbm>>
      %dma_wait3A_322 = tpu.memref_slice %arg4[%mul3A_2] : memref<1024xi32, #tpu.memory_space<hbm>> -> memref<16xi32, #tpu.memory_space<hbm>>
      tpu.wait_dma2 semaphore(%run_scoped3A : memref<!tpu.dma_semaphore, #tpu.memory_space<semaphore_mem>>) src(%dma_wait3A_322 : memref<16xi32, #tpu.memory_space<hbm>>) dst(%arg8 : memref<16xi32, #tpu.memory_space<vmem>>)
      tpu.yield
    }) : () -> ()
    %add3A_3 = arith.constant 512 : i32
    %add3A_4 = arith.addi %add3A_3, %mul3A_2 : i32
    "tpu.region"() ({
      %run_scoped3A = tpu.sem_alloc : memref<!tpu.dma_semaphore, #tpu.memory_space<semaphore_mem>>
      %dma_start3A_319 = tpu.memref_slice %arg4[%add3A_4] : memref<1024xi32, #tpu.memory_space<hbm>> -> memref<16xi32, #tpu.memory_space<hbm>>
      %dma_start3A_320 = tpu.memref_slice %arg4[%add3A_4] : memref<1024xi32, #tpu.memory_space<hbm>> -> memref<16xi32, #tpu.memory_space<hbm>>
      tpu.enqueue_dma source(%dma_start3A_320 : memref<16xi32, #tpu.memory_space<hbm>>) target(%arg9 : memref<16xi32, #tpu.memory_space<vmem>>) target_semaphore(%run_scoped3A : memref<!tpu.dma_semaphore, #tpu.memory_space<semaphore_mem>>)
      %dma_wait3A_321 = tpu.memref_slice %arg4[%add3A_4] : memref<1024xi32, #tpu.memory_space<hbm>> -> memref<16xi32, #tpu.memory_space<hbm>>
      %dma_wait3A_322 = tpu.memref_slice %arg4[%add3A_4] : memref<1024xi32, #tpu.memory_space<hbm>> -> memref<16xi32, #tpu.memory_space<hbm>>
      tpu.wait_dma2 semaphore(%run_scoped3A : memref<!tpu.dma_semaphore, #tpu.memory_space<semaphore_mem>>) src(%dma_wait3A_322 : memref<16xi32, #tpu.memory_space<hbm>>) dst(%arg9 : memref<16xi32, #tpu.memory_space<vmem>>)
      tpu.yield
    }) : () -> ()
    %dma_start3A = arith.constant 0 : i32
    %dma_start3A_5 = arith.constant 0 : i32
    %dma_start3A_6 = tpu.memref_slice %arg2[%dma_start3A, %dma_start3A_5] : memref<8192x768xf32, #tpu.memory_space<hbm>> -> memref<8192x768xf32, #tpu.memory_space<hbm>>
    tpu.enqueue_indirect_dma source(%dma_start3A_6 : memref<8192x768xf32, #tpu.memory_space<hbm>>) target(%arg10 : memref<16x768xf32, #tpu.memory_space<vmem>>) offsets(%arg8 : memref<16xi32, #tpu.memory_space<vmem>>) semaphore(%arg15 : memref<!tpu.dma_semaphore, #tpu.memory_space<semaphore_mem>>)
    %dma_start3A_7 = arith.constant 0 : i32
    %dma_start3A_8 = arith.constant 0 : i32
    %dma_start3A_9 = tpu.memref_slice %arg3[%dma_start3A_7, %dma_start3A_8] : memref<8192x768xf32, #tpu.memory_space<hbm>> -> memref<8192x768xf32, #tpu.memory_space<hbm>>
    tpu.enqueue_indirect_dma source(%dma_start3A_9 : memref<8192x768xf32, #tpu.memory_space<hbm>>) target(%arg11 : memref<16x768xf32, #tpu.memory_space<vmem>>) offsets(%arg9 : memref<16xi32, #tpu.memory_space<vmem>>) semaphore(%arg16 : memref<!tpu.dma_semaphore, #tpu.memory_space<semaphore_mem>>)
    %dma_wait3A = arith.constant 0 : i32
    %dma_wait3A_10 = arith.constant 0 : i32
    %dma_wait3A_11 = tpu.memref_slice %arg2[%dma_wait3A, %dma_wait3A_10] : memref<8192x768xf32, #tpu.memory_space<hbm>> -> memref<8192x768xf32, #tpu.memory_space<hbm>>
    tpu.wait_indirect_dma semaphore(%arg15 : memref<!tpu.dma_semaphore, #tpu.memory_space<semaphore_mem>>) src(%dma_wait3A_11 : memref<8192x768xf32, #tpu.memory_space<hbm>>) dst(%arg10 : memref<16x768xf32, #tpu.memory_space<vmem>>)
    %dma_wait3A_12 = arith.constant 0 : i32
    %dma_wait3A_13 = arith.constant 0 : i32
    %dma_wait3A_14 = tpu.memref_slice %arg3[%dma_wait3A_12, %dma_wait3A_13] : memref<8192x768xf32, #tpu.memory_space<hbm>> -> memref<8192x768xf32, #tpu.memory_space<hbm>>
    tpu.wait_indirect_dma semaphore(%arg16 : memref<!tpu.dma_semaphore, #tpu.memory_space<semaphore_mem>>) src(%dma_wait3A_14 : memref<8192x768xf32, #tpu.memory_space<hbm>>) dst(%arg11 : memref<16x768xf32, #tpu.memory_space<vmem>>)
    %iota3A = tpu.iota {dimensions = array<i32: 0>} : vector<16xi32>
    %broadcast_in_dim3A = arith.constant 0.000000e+00 : f32
    %broadcast_in_dim3A_15 = vector.broadcast %broadcast_in_dim3A : f32 to vector<16xf32>
    %scan3A = arith.constant 0 : i32
    %scan3A_16 = arith.constant 94 : i32
    %scan3A_17 = arith.addi %scan3A, %scan3A_16 : i32
    %scan3A_18 = arith.constant 1 : i32
    %scan3A_19:13 = scf.for %scan3A_319 = %scan3A to %scan3A_17 step %scan3A_18 iter_args(%scan3A_320 = %broadcast_in_dim3A_15, %scan3A_321 = %broadcast_in_dim3A_15, %scan3A_322 = %broadcast_in_dim3A_15, %scan3A_323 = %broadcast_in_dim3A_15, %scan3A_324 = %broadcast_in_dim3A_15, %scan3A_325 = %broadcast_in_dim3A_15, %scan3A_326 = %broadcast_in_dim3A_15, %scan3A_327 = %broadcast_in_dim3A_15, %scan3A_328 = %broadcast_in_dim3A_15, %scan3A_329 = %broadcast_in_dim3A_15, %scan3A_330 = %broadcast_in_dim3A_15, %scan3A_331 = %broadcast_in_dim3A_15, %scan3A_332 = %iota3A) -> (vector<16xf32>, vector<16xf32>, vector<16xf32>, vector<16xf32>, vector<16xf32>, vector<16xf32>, vector<16xf32>, vector<16xf32>, vector<16xf32>, vector<16xf32>, vector<16xf32>, vector<16xf32>, vector<16xi32>)  : i32 {
      %add3A_333 = arith.constant 0 : i32
      %add3A_334 = vector.broadcast %add3A_333 : i32 to vector<16xi32>
      %add3A_335 = arith.addi %scan3A_332, %add3A_334 : vector<16xi32>
      %gather3A_336 = tpu.vector_load_idx %arg10[%iota3A, %add3A_335] : memref<16x768xf32, #tpu.memory_space<vmem>>[vector<16xi32>, vector<16xi32>], vector<16xf32>,
      %gather3A_337 = tpu.vector_load_idx %arg11[%iota3A, %add3A_335] : memref<16x768xf32, #tpu.memory_space<vmem>>[vector<16xi32>, vector<16xi32>], vector<16xf32>,
      %mul3A_338 = arith.mulf %gather3A_336, %gather3A_337 : vector<16xf32>
      %add3A_339 = arith.addf %scan3A_320, %mul3A_338 : vector<16xf32>
      %mul3A_340 = arith.mulf %gather3A_336, %gather3A_336 : vector<16xf32>
      %add3A_341 = arith.addf %scan3A_321, %mul3A_340 : vector<16xf32>
      %mul3A_342 = arith.mulf %gather3A_337, %gather3A_337 : vector<16xf32>
      %add3A_343 = arith.addf %scan3A_322, %mul3A_342 : vector<16xf32>
      %add3A_344 = arith.constant 1 : i32
      %add3A_345 = vector.broadcast %add3A_344 : i32 to vector<16xi32>
      %add3A_346 = arith.addi %scan3A_332, %add3A_345 : vector<16xi32>
      %gather3A_347 = tpu.vector_load_idx %arg10[%iota3A, %add3A_346] : memref<16x768xf32, #tpu.memory_space<vmem>>[vector<16xi32>, vector<16xi32>], vector<16xf32>,
      %gather3A_348 = tpu.vector_load_idx %arg11[%iota3A, %add3A_346] : memref<16x768xf32, #tpu.memory_space<vmem>>[vector<16xi32>, vector<16xi32>], vector<16xf32>,
      %mul3A_349 = arith.mulf %gather3A_347, %gather3A_348 : vector<16xf32>
      %add3A_350 = arith.addf %scan3A_323, %mul3A_349 : vector<16xf32>
      %mul3A_351 = arith.mulf %gather3A_347, %gather3A_347 : vector<16xf32>
      %add3A_352 = arith.addf %scan3A_324, %mul3A_351 : vector<16xf32>
      %mul3A_353 = arith.mulf %gather3A_348, %gather3A_348 : vector<16xf32>
      %add3A_354 = arith.addf %scan3A_325, %mul3A_353 : vector<16xf32>
      %add3A_355 = arith.constant 2 : i32
      %add3A_356 = vector.broadcast %add3A_355 : i32 to vector<16xi32>
      %add3A_357 = arith.addi %scan3A_332, %add3A_356 : vector<16xi32>
      %gather3A_358 = tpu.vector_load_idx %arg10[%iota3A, %add3A_357] : memref<16x768xf32, #tpu.memory_space<vmem>>[vector<16xi32>, vector<16xi32>], vector<16xf32>,
      %gather3A_359 = tpu.vector_load_idx %arg11[%iota3A, %add3A_357] : memref<16x768xf32, #tpu.memory_space<vmem>>[vector<16xi32>, vector<16xi32>], vector<16xf32>,
      %mul3A_360 = arith.mulf %gather3A_358, %gather3A_359 : vector<16xf32>
      %add3A_361 = arith.addf %scan3A_326, %mul3A_360 : vector<16xf32>
      %mul3A_362 = arith.mulf %gather3A_358, %gather3A_358 : vector<16xf32>
      %add3A_363 = arith.addf %scan3A_327, %mul3A_362 : vector<16xf32>
      %mul3A_364 = arith.mulf %gather3A_359, %gather3A_359 : vector<16xf32>
      %add3A_365 = arith.addf %scan3A_328, %mul3A_364 : vector<16xf32>
      %add3A_366 = arith.constant 3 : i32
      %add3A_367 = vector.broadcast %add3A_366 : i32 to vector<16xi32>
      %add3A_368 = arith.addi %scan3A_332, %add3A_367 : vector<16xi32>
      %gather3A_369 = tpu.vector_load_idx %arg10[%iota3A, %add3A_368] : memref<16x768xf32, #tpu.memory_space<vmem>>[vector<16xi32>, vector<16xi32>], vector<16xf32>,
      %gather3A_370 = tpu.vector_load_idx %arg11[%iota3A, %add3A_368] : memref<16x768xf32, #tpu.memory_space<vmem>>[vector<16xi32>, vector<16xi32>], vector<16xf32>,
      %mul3A_371 = arith.mulf %gather3A_369, %gather3A_370 : vector<16xf32>
      %add3A_372 = arith.addf %scan3A_329, %mul3A_371 : vector<16xf32>
      %mul3A_373 = arith.mulf %gather3A_369, %gather3A_369 : vector<16xf32>
      %add3A_374 = arith.addf %scan3A_330, %mul3A_373 : vector<16xf32>
      %mul3A_375 = arith.mulf %gather3A_370, %gather3A_370 : vector<16xf32>
      %add3A_376 = arith.addf %scan3A_331, %mul3A_375 : vector<16xf32>
      %add3A_377 = arith.constant 4 : i32
      %add3A_378 = vector.broadcast %add3A_377 : i32 to vector<16xi32>
      %add3A_379 = arith.addi %scan3A_332, %add3A_378 : vector<16xi32>
      %gather3A_380 = tpu.vector_load_idx %arg10[%iota3A, %add3A_379] : memref<16x768xf32, #tpu.memory_space<vmem>>[vector<16xi32>, vector<16xi32>], vector<16xf32>,
      %gather3A_381 = tpu.vector_load_idx %arg11[%iota3A, %add3A_379] : memref<16x768xf32, #tpu.memory_space<vmem>>[vector<16xi32>, vector<16xi32>], vector<16xf32>,
      %mul3A_382 = arith.mulf %gather3A_380, %gather3A_381 : vector<16xf32>
      %add3A_383 = arith.addf %add3A_339, %mul3A_382 : vector<16xf32>
      %mul3A_384 = arith.mulf %gather3A_380, %gather3A_380 : vector<16xf32>
      %add3A_385 = arith.addf %add3A_341, %mul3A_384 : vector<16xf32>
      %mul3A_386 = arith.mulf %gather3A_381, %gather3A_381 : vector<16xf32>
      %add3A_387 = arith.addf %add3A_343, %mul3A_386 : vector<16xf32>
      %add3A_388 = arith.constant 5 : i32
      %add3A_389 = vector.broadcast %add3A_388 : i32 to vector<16xi32>
      %add3A_390 = arith.addi %scan3A_332, %add3A_389 : vector<16xi32>
      %gather3A_391 = tpu.vector_load_idx %arg10[%iota3A, %add3A_390] : memref<16x768xf32, #tpu.memory_space<vmem>>[vector<16xi32>, vector<16xi32>], vector<16xf32>,
      %gather3A_392 = tpu.vector_load_idx %arg11[%iota3A, %add3A_390] : memref<16x768xf32, #tpu.memory_space<vmem>>[vector<16xi32>, vector<16xi32>], vector<16xf32>,
      %mul3A_393 = arith.mulf %gather3A_391, %gather3A_392 : vector<16xf32>
      %add3A_394 = arith.addf %add3A_350, %mul3A_393 : vector<16xf32>
      %mul3A_395 = arith.mulf %gather3A_391, %gather3A_391 : vector<16xf32>
      %add3A_396 = arith.addf %add3A_352, %mul3A_395 : vector<16xf32>
      %mul3A_397 = arith.mulf %gather3A_392, %gather3A_392 : vector<16xf32>
      %add3A_398 = arith.addf %add3A_354, %mul3A_397 : vector<16xf32>
      %add3A_399 = arith.constant 6 : i32
      %add3A_400 = vector.broadcast %add3A_399 : i32 to vector<16xi32>
      %add3A_401 = arith.addi %scan3A_332, %add3A_400 : vector<16xi32>
      %gather3A_402 = tpu.vector_load_idx %arg10[%iota3A, %add3A_401] : memref<16x768xf32, #tpu.memory_space<vmem>>[vector<16xi32>, vector<16xi32>], vector<16xf32>,
      %gather3A_403 = tpu.vector_load_idx %arg11[%iota3A, %add3A_401] : memref<16x768xf32, #tpu.memory_space<vmem>>[vector<16xi32>, vector<16xi32>], vector<16xf32>,
      %mul3A_404 = arith.mulf %gather3A_402, %gather3A_403 : vector<16xf32>
      %add3A_405 = arith.addf %add3A_361, %mul3A_404 : vector<16xf32>
      %mul3A_406 = arith.mulf %gather3A_402, %gather3A_402 : vector<16xf32>
      %add3A_407 = arith.addf %add3A_363, %mul3A_406 : vector<16xf32>
      %mul3A_408 = arith.mulf %gather3A_403, %gather3A_403 : vector<16xf32>
      %add3A_409 = arith.addf %add3A_365, %mul3A_408 : vector<16xf32>
      %add3A_410 = arith.constant 7 : i32
      %add3A_411 = vector.broadcast %add3A_410 : i32 to vector<16xi32>
      %add3A_412 = arith.addi %scan3A_332, %add3A_411 : vector<16xi32>
      %gather3A_413 = tpu.vector_load_idx %arg10[%iota3A, %add3A_412] : memref<16x768xf32, #tpu.memory_space<vmem>>[vector<16xi32>, vector<16xi32>], vector<16xf32>,
      %gather3A_414 = tpu.vector_load_idx %arg11[%iota3A, %add3A_412] : memref<16x768xf32, #tpu.memory_space<vmem>>[vector<16xi32>, vector<16xi32>], vector<16xf32>,
      %mul3A_415 = arith.mulf %gather3A_413, %gather3A_414 : vector<16xf32>
      %add3A_416 = arith.addf %add3A_372, %mul3A_415 : vector<16xf32>
      %mul3A_417 = arith.mulf %gather3A_413, %gather3A_413 : vector<16xf32>
      %add3A_418 = arith.addf %add3A_374, %mul3A_417 : vector<16xf32>
      %mul3A_419 = arith.mulf %gather3A_414, %gather3A_414 : vector<16xf32>
      %add3A_420 = arith.addf %add3A_376, %mul3A_419 : vector<16xf32>
      %add3A_421 = arith.constant 8 : i32
      %add3A_422 = vector.broadcast %add3A_421 : i32 to vector<16xi32>
      %add3A_423 = arith.addi %scan3A_332, %add3A_422 : vector<16xi32>
      scf.yield %add3A_383, %add3A_385, %add3A_387, %add3A_394, %add3A_396, %add3A_398, %add3A_405, %add3A_407, %add3A_409, %add3A_416, %add3A_418, %add3A_420, %add3A_423 : vector<16xf32>, vector<16xf32>, vector<16xf32>, vector<16xf32>, vector<16xf32>, vector<16xf32>, vector<16xf32>, vector<16xf32>, vector<16xf32>, vector<16xf32>, vector<16xf32>, vector<16xf32>, vector<16xi32>
    }
    %scan3A_20 = arith.constant 94 : i32
    %add3A_21 = arith.constant 0 : i32
    %add3A_22 = vector.broadcast %add3A_21 : i32 to vector<16xi32>
    %add3A_23 = arith.addi %scan3A_19#12, %add3A_22 : vector<16xi32>
    %ge3A = arith.constant 768 : i32
    %ge3A_24 = vector.broadcast %ge3A : i32 to vector<16xi32>
    %ge3A_25 = arith.cmpi sge, %add3A_23, %ge3A_24 : vector<16xi32>
    %sub3A = arith.constant 768 : i32
    %sub3A_26 = vector.broadcast %sub3A : i32 to vector<16xi32>
    %sub3A_27 = arith.subi %add3A_23, %sub3A_26 : vector<16xi32>
    %select_n3A = arith.select %ge3A_25, %sub3A_27, %add3A_23 : vector<16xi1>, vector<16xi32>
    %gather3A = tpu.vector_load_idx %arg10[%iota3A, %select_n3A] : memref<16x768xf32, #tpu.memory_space<vmem>>[vector<16xi32>, vector<16xi32>], vector<16xf32>,
    %gather3A_28 = tpu.vector_load_idx %arg11[%iota3A, %select_n3A] : memref<16x768xf32, #tpu.memory_space<vmem>>[vector<16xi32>, vector<16xi32>], vector<16xf32>,
    %mul3A_29 = arith.mulf %gather3A, %gather3A_28 : vector<16xf32>
    %add3A_30 = arith.addf %scan3A_19#0, %mul3A_29 : vector<16xf32>
    %mul3A_31 = arith.mulf %gather3A, %gather3A : vector<16xf32>
    %add3A_32 = arith.addf %scan3A_19#1, %mul3A_31 : vector<16xf32>
    %mul3A_33 = arith.mulf %gather3A_28, %gather3A_28 : vector<16xf32>
    %add3A_34 = arith.addf %scan3A_19#2, %mul3A_33 : vector<16xf32>
    %add3A_35 = arith.constant 1 : i32
    %add3A_36 = vector.broadcast %add3A_35 : i32 to vector<16xi32>
    %add3A_37 = arith.addi %scan3A_19#12, %add3A_36 : vector<16xi32>
    %ge3A_38 = arith.constant 768 : i32
    %ge3A_39 = vector.broadcast %ge3A_38 : i32 to vector<16xi32>
    %ge3A_40 = arith.cmpi sge, %add3A_37, %ge3A_39 : vector<16xi32>
    %sub3A_41 = arith.constant 768 : i32
    %sub3A_42 = vector.broadcast %sub3A_41 : i32 to vector<16xi32>
    %sub3A_43 = arith.subi %add3A_37, %sub3A_42 : vector<16xi32>
    %select_n3A_44 = arith.select %ge3A_40, %sub3A_43, %add3A_37 : vector<16xi1>, vector<16xi32>
    %gather3A_45 = tpu.vector_load_idx %arg10[%iota3A, %select_n3A_44] : memref<16x768xf32, #tpu.memory_space<vmem>>[vector<16xi32>, vector<16xi32>], vector<16xf32>,
    %gather3A_46 = tpu.vector_load_idx %arg11[%iota3A, %select_n3A_44] : memref<16x768xf32, #tpu.memory_space<vmem>>[vector<16xi32>, vector<16xi32>], vector<16xf32>,
    %mul3A_47 = arith.mulf %gather3A_45, %gather3A_46 : vector<16xf32>
    %add3A_48 = arith.addf %scan3A_19#3, %mul3A_47 : vector<16xf32>
    %mul3A_49 = arith.mulf %gather3A_45, %gather3A_45 : vector<16xf32>
    %add3A_50 = arith.addf %scan3A_19#4, %mul3A_49 : vector<16xf32>
    %mul3A_51 = arith.mulf %gather3A_46, %gather3A_46 : vector<16xf32>
    %add3A_52 = arith.addf %scan3A_19#5, %mul3A_51 : vector<16xf32>
    %add3A_53 = arith.constant 2 : i32
    %add3A_54 = vector.broadcast %add3A_53 : i32 to vector<16xi32>
    %add3A_55 = arith.addi %scan3A_19#12, %add3A_54 : vector<16xi32>
    %ge3A_56 = arith.constant 768 : i32
    %ge3A_57 = vector.broadcast %ge3A_56 : i32 to vector<16xi32>
    %ge3A_58 = arith.cmpi sge, %add3A_55, %ge3A_57 : vector<16xi32>
    %sub3A_59 = arith.constant 768 : i32
    %sub3A_60 = vector.broadcast %sub3A_59 : i32 to vector<16xi32>
    %sub3A_61 = arith.subi %add3A_55, %sub3A_60 : vector<16xi32>
    %select_n3A_62 = arith.select %ge3A_58, %sub3A_61, %add3A_55 : vector<16xi1>, vector<16xi32>
    %gather3A_63 = tpu.vector_load_idx %arg10[%iota3A, %select_n3A_62] : memref<16x768xf32, #tpu.memory_space<vmem>>[vector<16xi32>, vector<16xi32>], vector<16xf32>,
    %gather3A_64 = tpu.vector_load_idx %arg11[%iota3A, %select_n3A_62] : memref<16x768xf32, #tpu.memory_space<vmem>>[vector<16xi32>, vector<16xi32>], vector<16xf32>,
    %mul3A_65 = arith.mulf %gather3A_63, %gather3A_64 : vector<16xf32>
    %add3A_66 = arith.addf %scan3A_19#6, %mul3A_65 : vector<16xf32>
    %mul3A_67 = arith.mulf %gather3A_63, %gather3A_63 : vector<16xf32>
    %add3A_68 = arith.addf %scan3A_19#7, %mul3A_67 : vector<16xf32>
    %mul3A_69 = arith.mulf %gather3A_64, %gather3A_64 : vector<16xf32>
    %add3A_70 = arith.addf %scan3A_19#8, %mul3A_69 : vector<16xf32>
    %add3A_71 = arith.constant 3 : i32
    %add3A_72 = vector.broadcast %add3A_71 : i32 to vector<16xi32>
    %add3A_73 = arith.addi %scan3A_19#12, %add3A_72 : vector<16xi32>
    %ge3A_74 = arith.constant 768 : i32
    %ge3A_75 = vector.broadcast %ge3A_74 : i32 to vector<16xi32>
    %ge3A_76 = arith.cmpi sge, %add3A_73, %ge3A_75 : vector<16xi32>
    %sub3A_77 = arith.constant 768 : i32
    %sub3A_78 = vector.broadcast %sub3A_77 : i32 to vector<16xi32>
    %sub3A_79 = arith.subi %add3A_73, %sub3A_78 : vector<16xi32>
    %select_n3A_80 = arith.select %ge3A_76, %sub3A_79, %add3A_73 : vector<16xi1>, vector<16xi32>
    %gather3A_81 = tpu.vector_load_idx %arg10[%iota3A, %select_n3A_80] : memref<16x768xf32, #tpu.memory_space<vmem>>[vector<16xi32>, vector<16xi32>], vector<16xf32>,
    %gather3A_82 = tpu.vector_load_idx %arg11[%iota3A, %select_n3A_80] : memref<16x768xf32, #tpu.memory_space<vmem>>[vector<16xi32>, vector<16xi32>], vector<16xf32>,
    %mul3A_83 = arith.mulf %gather3A_81, %gather3A_82 : vector<16xf32>
    %add3A_84 = arith.addf %scan3A_19#9, %mul3A_83 : vector<16xf32>
    %mul3A_85 = arith.mulf %gather3A_81, %gather3A_81 : vector<16xf32>
    %add3A_86 = arith.addf %scan3A_19#10, %mul3A_85 : vector<16xf32>
    %mul3A_87 = arith.mulf %gather3A_82, %gather3A_82 : vector<16xf32>
    %add3A_88 = arith.addf %scan3A_19#11, %mul3A_87 : vector<16xf32>
    %add3A_89 = arith.constant 4 : i32
    %add3A_90 = vector.broadcast %add3A_89 : i32 to vector<16xi32>
    %add3A_91 = arith.addi %scan3A_19#12, %add3A_90 : vector<16xi32>
    %ge3A_92 = arith.constant 768 : i32
    %ge3A_93 = vector.broadcast %ge3A_92 : i32 to vector<16xi32>
    %ge3A_94 = arith.cmpi sge, %add3A_91, %ge3A_93 : vector<16xi32>
    %sub3A_95 = arith.constant 768 : i32
    %sub3A_96 = vector.broadcast %sub3A_95 : i32 to vector<16xi32>
    %sub3A_97 = arith.subi %add3A_91, %sub3A_96 : vector<16xi32>
    %select_n3A_98 = arith.select %ge3A_94, %sub3A_97, %add3A_91 : vector<16xi1>, vector<16xi32>
    %gather3A_99 = tpu.vector_load_idx %arg10[%iota3A, %select_n3A_98] : memref<16x768xf32, #tpu.memory_space<vmem>>[vector<16xi32>, vector<16xi32>], vector<16xf32>,
    %gather3A_100 = tpu.vector_load_idx %arg11[%iota3A, %select_n3A_98] : memref<16x768xf32, #tpu.memory_space<vmem>>[vector<16xi32>, vector<16xi32>], vector<16xf32>,
    %mul3A_101 = arith.mulf %gather3A_99, %gather3A_100 : vector<16xf32>
    %add3A_102 = arith.addf %add3A_30, %mul3A_101 : vector<16xf32>
    %mul3A_103 = arith.mulf %gather3A_99, %gather3A_99 : vector<16xf32>
    %add3A_104 = arith.addf %add3A_32, %mul3A_103 : vector<16xf32>
    %mul3A_105 = arith.mulf %gather3A_100, %gather3A_100 : vector<16xf32>
    %add3A_106 = arith.addf %add3A_34, %mul3A_105 : vector<16xf32>
    %add3A_107 = arith.constant 5 : i32
    %add3A_108 = vector.broadcast %add3A_107 : i32 to vector<16xi32>
    %add3A_109 = arith.addi %scan3A_19#12, %add3A_108 : vector<16xi32>
    %ge3A_110 = arith.constant 768 : i32
    %ge3A_111 = vector.broadcast %ge3A_110 : i32 to vector<16xi32>
    %ge3A_112 = arith.cmpi sge, %add3A_109, %ge3A_111 : vector<16xi32>
    %sub3A_113 = arith.constant 768 : i32
    %sub3A_114 = vector.broadcast %sub3A_113 : i32 to vector<16xi32>
    %sub3A_115 = arith.subi %add3A_109, %sub3A_114 : vector<16xi32>
    %select_n3A_116 = arith.select %ge3A_112, %sub3A_115, %add3A_109 : vector<16xi1>, vector<16xi32>
    %gather3A_117 = tpu.vector_load_idx %arg10[%iota3A, %select_n3A_116] : memref<16x768xf32, #tpu.memory_space<vmem>>[vector<16xi32>, vector<16xi32>], vector<16xf32>,
    %gather3A_118 = tpu.vector_load_idx %arg11[%iota3A, %select_n3A_116] : memref<16x768xf32, #tpu.memory_space<vmem>>[vector<16xi32>, vector<16xi32>], vector<16xf32>,
    %mul3A_119 = arith.mulf %gather3A_117, %gather3A_118 : vector<16xf32>
    %add3A_120 = arith.addf %add3A_48, %mul3A_119 : vector<16xf32>
    %mul3A_121 = arith.mulf %gather3A_117, %gather3A_117 : vector<16xf32>
    %add3A_122 = arith.addf %add3A_50, %mul3A_121 : vector<16xf32>
    %mul3A_123 = arith.mulf %gather3A_118, %gather3A_118 : vector<16xf32>
    %add3A_124 = arith.addf %add3A_52, %mul3A_123 : vector<16xf32>
    %add3A_125 = arith.constant 6 : i32
    %add3A_126 = vector.broadcast %add3A_125 : i32 to vector<16xi32>
    %add3A_127 = arith.addi %scan3A_19#12, %add3A_126 : vector<16xi32>
    %ge3A_128 = arith.constant 768 : i32
    %ge3A_129 = vector.broadcast %ge3A_128 : i32 to vector<16xi32>
    %ge3A_130 = arith.cmpi sge, %add3A_127, %ge3A_129 : vector<16xi32>
    %sub3A_131 = arith.constant 768 : i32
    %sub3A_132 = vector.broadcast %sub3A_131 : i32 to vector<16xi32>
    %sub3A_133 = arith.subi %add3A_127, %sub3A_132 : vector<16xi32>
    %select_n3A_134 = arith.select %ge3A_130, %sub3A_133, %add3A_127 : vector<16xi1>, vector<16xi32>
    %gather3A_135 = tpu.vector_load_idx %arg10[%iota3A, %select_n3A_134] : memref<16x768xf32, #tpu.memory_space<vmem>>[vector<16xi32>, vector<16xi32>], vector<16xf32>,
    %gather3A_136 = tpu.vector_load_idx %arg11[%iota3A, %select_n3A_134] : memref<16x768xf32, #tpu.memory_space<vmem>>[vector<16xi32>, vector<16xi32>], vector<16xf32>,
    %mul3A_137 = arith.mulf %gather3A_135, %gather3A_136 : vector<16xf32>
    %add3A_138 = arith.addf %add3A_66, %mul3A_137 : vector<16xf32>
    %mul3A_139 = arith.mulf %gather3A_135, %gather3A_135 : vector<16xf32>
    %add3A_140 = arith.addf %add3A_68, %mul3A_139 : vector<16xf32>
    %mul3A_141 = arith.mulf %gather3A_136, %gather3A_136 : vector<16xf32>
    %add3A_142 = arith.addf %add3A_70, %mul3A_141 : vector<16xf32>
    %add3A_143 = arith.constant 7 : i32
    %add3A_144 = vector.broadcast %add3A_143 : i32 to vector<16xi32>
    %add3A_145 = arith.addi %scan3A_19#12, %add3A_144 : vector<16xi32>
    %ge3A_146 = arith.constant 768 : i32
    %ge3A_147 = vector.broadcast %ge3A_146 : i32 to vector<16xi32>
    %ge3A_148 = arith.cmpi sge, %add3A_145, %ge3A_147 : vector<16xi32>
    %sub3A_149 = arith.constant 768 : i32
    %sub3A_150 = vector.broadcast %sub3A_149 : i32 to vector<16xi32>
    %sub3A_151 = arith.subi %add3A_145, %sub3A_150 : vector<16xi32>
    %select_n3A_152 = arith.select %ge3A_148, %sub3A_151, %add3A_145 : vector<16xi1>, vector<16xi32>
    %gather3A_153 = tpu.vector_load_idx %arg10[%iota3A, %select_n3A_152] : memref<16x768xf32, #tpu.memory_space<vmem>>[vector<16xi32>, vector<16xi32>], vector<16xf32>,
    %gather3A_154 = tpu.vector_load_idx %arg11[%iota3A, %select_n3A_152] : memref<16x768xf32, #tpu.memory_space<vmem>>[vector<16xi32>, vector<16xi32>], vector<16xf32>,
    %mul3A_155 = arith.mulf %gather3A_153, %gather3A_154 : vector<16xf32>
    %add3A_156 = arith.addf %add3A_84, %mul3A_155 : vector<16xf32>
    %mul3A_157 = arith.mulf %gather3A_153, %gather3A_153 : vector<16xf32>
    %add3A_158 = arith.addf %add3A_86, %mul3A_157 : vector<16xf32>
    %mul3A_159 = arith.mulf %gather3A_154, %gather3A_154 : vector<16xf32>
    %add3A_160 = arith.addf %add3A_88, %mul3A_159 : vector<16xf32>
    %add3A_161 = arith.constant 8 : i32
    %add3A_162 = vector.broadcast %add3A_161 : i32 to vector<16xi32>
    %add3A_163 = arith.addi %scan3A_19#12, %add3A_162 : vector<16xi32>
    %ge3A_164 = arith.constant 768 : i32
    %ge3A_165 = vector.broadcast %ge3A_164 : i32 to vector<16xi32>
    %ge3A_166 = arith.cmpi sge, %add3A_163, %ge3A_165 : vector<16xi32>
    %sub3A_167 = arith.constant 768 : i32
    %sub3A_168 = vector.broadcast %sub3A_167 : i32 to vector<16xi32>
    %sub3A_169 = arith.subi %add3A_163, %sub3A_168 : vector<16xi32>
    %select_n3A_170 = arith.select %ge3A_166, %sub3A_169, %add3A_163 : vector<16xi1>, vector<16xi32>
    %gather3A_171 = tpu.vector_load_idx %arg10[%iota3A, %select_n3A_170] : memref<16x768xf32, #tpu.memory_space<vmem>>[vector<16xi32>, vector<16xi32>], vector<16xf32>,
    %gather3A_172 = tpu.vector_load_idx %arg11[%iota3A, %select_n3A_170] : memref<16x768xf32, #tpu.memory_space<vmem>>[vector<16xi32>, vector<16xi32>], vector<16xf32>,
    %mul3A_173 = arith.mulf %gather3A_171, %gather3A_172 : vector<16xf32>
    %add3A_174 = arith.addf %add3A_102, %mul3A_173 : vector<16xf32>
    %mul3A_175 = arith.mulf %gather3A_171, %gather3A_171 : vector<16xf32>
    %add3A_176 = arith.addf %add3A_104, %mul3A_175 : vector<16xf32>
    %mul3A_177 = arith.mulf %gather3A_172, %gather3A_172 : vector<16xf32>
    %add3A_178 = arith.addf %add3A_106, %mul3A_177 : vector<16xf32>
    %add3A_179 = arith.constant 9 : i32
    %add3A_180 = vector.broadcast %add3A_179 : i32 to vector<16xi32>
    %add3A_181 = arith.addi %scan3A_19#12, %add3A_180 : vector<16xi32>
    %ge3A_182 = arith.constant 768 : i32
    %ge3A_183 = vector.broadcast %ge3A_182 : i32 to vector<16xi32>
    %ge3A_184 = arith.cmpi sge, %add3A_181, %ge3A_183 : vector<16xi32>
    %sub3A_185 = arith.constant 768 : i32
    %sub3A_186 = vector.broadcast %sub3A_185 : i32 to vector<16xi32>
    %sub3A_187 = arith.subi %add3A_181, %sub3A_186 : vector<16xi32>
    %select_n3A_188 = arith.select %ge3A_184, %sub3A_187, %add3A_181 : vector<16xi1>, vector<16xi32>
    %gather3A_189 = tpu.vector_load_idx %arg10[%iota3A, %select_n3A_188] : memref<16x768xf32, #tpu.memory_space<vmem>>[vector<16xi32>, vector<16xi32>], vector<16xf32>,
    %gather3A_190 = tpu.vector_load_idx %arg11[%iota3A, %select_n3A_188] : memref<16x768xf32, #tpu.memory_space<vmem>>[vector<16xi32>, vector<16xi32>], vector<16xf32>,
    %mul3A_191 = arith.mulf %gather3A_189, %gather3A_190 : vector<16xf32>
    %add3A_192 = arith.addf %add3A_120, %mul3A_191 : vector<16xf32>
    %mul3A_193 = arith.mulf %gather3A_189, %gather3A_189 : vector<16xf32>
    %add3A_194 = arith.addf %add3A_122, %mul3A_193 : vector<16xf32>
    %mul3A_195 = arith.mulf %gather3A_190, %gather3A_190 : vector<16xf32>
    %add3A_196 = arith.addf %add3A_124, %mul3A_195 : vector<16xf32>
    %add3A_197 = arith.constant 10 : i32
    %add3A_198 = vector.broadcast %add3A_197 : i32 to vector<16xi32>
    %add3A_199 = arith.addi %scan3A_19#12, %add3A_198 : vector<16xi32>
    %ge3A_200 = arith.constant 768 : i32
    %ge3A_201 = vector.broadcast %ge3A_200 : i32 to vector<16xi32>
    %ge3A_202 = arith.cmpi sge, %add3A_199, %ge3A_201 : vector<16xi32>
    %sub3A_203 = arith.constant 768 : i32
    %sub3A_204 = vector.broadcast %sub3A_203 : i32 to vector<16xi32>
    %sub3A_205 = arith.subi %add3A_199, %sub3A_204 : vector<16xi32>
    %select_n3A_206 = arith.select %ge3A_202, %sub3A_205, %add3A_199 : vector<16xi1>, vector<16xi32>
    %gather3A_207 = tpu.vector_load_idx %arg10[%iota3A, %select_n3A_206] : memref<16x768xf32, #tpu.memory_space<vmem>>[vector<16xi32>, vector<16xi32>], vector<16xf32>,
    %gather3A_208 = tpu.vector_load_idx %arg11[%iota3A, %select_n3A_206] : memref<16x768xf32, #tpu.memory_space<vmem>>[vector<16xi32>, vector<16xi32>], vector<16xf32>,
    %mul3A_209 = arith.mulf %gather3A_207, %gather3A_208 : vector<16xf32>
    %add3A_210 = arith.addf %add3A_138, %mul3A_209 : vector<16xf32>
    %mul3A_211 = arith.mulf %gather3A_207, %gather3A_207 : vector<16xf32>
    %add3A_212 = arith.addf %add3A_140, %mul3A_211 : vector<16xf32>
    %mul3A_213 = arith.mulf %gather3A_208, %gather3A_208 : vector<16xf32>
    %add3A_214 = arith.addf %add3A_142, %mul3A_213 : vector<16xf32>
    %add3A_215 = arith.constant 11 : i32
    %add3A_216 = vector.broadcast %add3A_215 : i32 to vector<16xi32>
    %add3A_217 = arith.addi %scan3A_19#12, %add3A_216 : vector<16xi32>
    %ge3A_218 = arith.constant 768 : i32
    %ge3A_219 = vector.broadcast %ge3A_218 : i32 to vector<16xi32>
    %ge3A_220 = arith.cmpi sge, %add3A_217, %ge3A_219 : vector<16xi32>
    %sub3A_221 = arith.constant 768 : i32
    %sub3A_222 = vector.broadcast %sub3A_221 : i32 to vector<16xi32>
    %sub3A_223 = arith.subi %add3A_217, %sub3A_222 : vector<16xi32>
    %select_n3A_224 = arith.select %ge3A_220, %sub3A_223, %add3A_217 : vector<16xi1>, vector<16xi32>
    %gather3A_225 = tpu.vector_load_idx %arg10[%iota3A, %select_n3A_224] : memref<16x768xf32, #tpu.memory_space<vmem>>[vector<16xi32>, vector<16xi32>], vector<16xf32>,
    %gather3A_226 = tpu.vector_load_idx %arg11[%iota3A, %select_n3A_224] : memref<16x768xf32, #tpu.memory_space<vmem>>[vector<16xi32>, vector<16xi32>], vector<16xf32>,
    %mul3A_227 = arith.mulf %gather3A_225, %gather3A_226 : vector<16xf32>
    %add3A_228 = arith.addf %add3A_156, %mul3A_227 : vector<16xf32>
    %mul3A_229 = arith.mulf %gather3A_225, %gather3A_225 : vector<16xf32>
    %add3A_230 = arith.addf %add3A_158, %mul3A_229 : vector<16xf32>
    %mul3A_231 = arith.mulf %gather3A_226, %gather3A_226 : vector<16xf32>
    %add3A_232 = arith.addf %add3A_160, %mul3A_231 : vector<16xf32>
    %add3A_233 = arith.constant 12 : i32
    %add3A_234 = vector.broadcast %add3A_233 : i32 to vector<16xi32>
    %add3A_235 = arith.addi %scan3A_19#12, %add3A_234 : vector<16xi32>
    %ge3A_236 = arith.constant 768 : i32
    %ge3A_237 = vector.broadcast %ge3A_236 : i32 to vector<16xi32>
    %ge3A_238 = arith.cmpi sge, %add3A_235, %ge3A_237 : vector<16xi32>
    %sub3A_239 = arith.constant 768 : i32
    %sub3A_240 = vector.broadcast %sub3A_239 : i32 to vector<16xi32>
    %sub3A_241 = arith.subi %add3A_235, %sub3A_240 : vector<16xi32>
    %select_n3A_242 = arith.select %ge3A_238, %sub3A_241, %add3A_235 : vector<16xi1>, vector<16xi32>
    %gather3A_243 = tpu.vector_load_idx %arg10[%iota3A, %select_n3A_242] : memref<16x768xf32, #tpu.memory_space<vmem>>[vector<16xi32>, vector<16xi32>], vector<16xf32>,
    %gather3A_244 = tpu.vector_load_idx %arg11[%iota3A, %select_n3A_242] : memref<16x768xf32, #tpu.memory_space<vmem>>[vector<16xi32>, vector<16xi32>], vector<16xf32>,
    %mul3A_245 = arith.mulf %gather3A_243, %gather3A_244 : vector<16xf32>
    %add3A_246 = arith.addf %add3A_174, %mul3A_245 : vector<16xf32>
    %mul3A_247 = arith.mulf %gather3A_243, %gather3A_243 : vector<16xf32>
    %add3A_248 = arith.addf %add3A_176, %mul3A_247 : vector<16xf32>
    %mul3A_249 = arith.mulf %gather3A_244, %gather3A_244 : vector<16xf32>
    %add3A_250 = arith.addf %add3A_178, %mul3A_249 : vector<16xf32>
    %add3A_251 = arith.constant 13 : i32
    %add3A_252 = vector.broadcast %add3A_251 : i32 to vector<16xi32>
    %add3A_253 = arith.addi %scan3A_19#12, %add3A_252 : vector<16xi32>
    %ge3A_254 = arith.constant 768 : i32
    %ge3A_255 = vector.broadcast %ge3A_254 : i32 to vector<16xi32>
    %ge3A_256 = arith.cmpi sge, %add3A_253, %ge3A_255 : vector<16xi32>
    %sub3A_257 = arith.constant 768 : i32
    %sub3A_258 = vector.broadcast %sub3A_257 : i32 to vector<16xi32>
    %sub3A_259 = arith.subi %add3A_253, %sub3A_258 : vector<16xi32>
    %select_n3A_260 = arith.select %ge3A_256, %sub3A_259, %add3A_253 : vector<16xi1>, vector<16xi32>
    %gather3A_261 = tpu.vector_load_idx %arg10[%iota3A, %select_n3A_260] : memref<16x768xf32, #tpu.memory_space<vmem>>[vector<16xi32>, vector<16xi32>], vector<16xf32>,
    %gather3A_262 = tpu.vector_load_idx %arg11[%iota3A, %select_n3A_260] : memref<16x768xf32, #tpu.memory_space<vmem>>[vector<16xi32>, vector<16xi32>], vector<16xf32>,
    %mul3A_263 = arith.mulf %gather3A_261, %gather3A_262 : vector<16xf32>
    %add3A_264 = arith.addf %add3A_192, %mul3A_263 : vector<16xf32>
    %mul3A_265 = arith.mulf %gather3A_261, %gather3A_261 : vector<16xf32>
    %add3A_266 = arith.addf %add3A_194, %mul3A_265 : vector<16xf32>
    %mul3A_267 = arith.mulf %gather3A_262, %gather3A_262 : vector<16xf32>
    %add3A_268 = arith.addf %add3A_196, %mul3A_267 : vector<16xf32>
    %add3A_269 = arith.constant 14 : i32
    %add3A_270 = vector.broadcast %add3A_269 : i32 to vector<16xi32>
    %add3A_271 = arith.addi %scan3A_19#12, %add3A_270 : vector<16xi32>
    %ge3A_272 = arith.constant 768 : i32
    %ge3A_273 = vector.broadcast %ge3A_272 : i32 to vector<16xi32>
    %ge3A_274 = arith.cmpi sge, %add3A_271, %ge3A_273 : vector<16xi32>
    %sub3A_275 = arith.constant 768 : i32
    %sub3A_276 = vector.broadcast %sub3A_275 : i32 to vector<16xi32>
    %sub3A_277 = arith.subi %add3A_271, %sub3A_276 : vector<16xi32>
    %select_n3A_278 = arith.select %ge3A_274, %sub3A_277, %add3A_271 : vector<16xi1>, vector<16xi32>
    %gather3A_279 = tpu.vector_load_idx %arg10[%iota3A, %select_n3A_278] : memref<16x768xf32, #tpu.memory_space<vmem>>[vector<16xi32>, vector<16xi32>], vector<16xf32>,
    %gather3A_280 = tpu.vector_load_idx %arg11[%iota3A, %select_n3A_278] : memref<16x768xf32, #tpu.memory_space<vmem>>[vector<16xi32>, vector<16xi32>], vector<16xf32>,
    %mul3A_281 = arith.mulf %gather3A_279, %gather3A_280 : vector<16xf32>
    %add3A_282 = arith.addf %add3A_210, %mul3A_281 : vector<16xf32>
    %mul3A_283 = arith.mulf %gather3A_279, %gather3A_279 : vector<16xf32>
    %add3A_284 = arith.addf %add3A_212, %mul3A_283 : vector<16xf32>
    %mul3A_285 = arith.mulf %gather3A_280, %gather3A_280 : vector<16xf32>
    %add3A_286 = arith.addf %add3A_214, %mul3A_285 : vector<16xf32>
    %add3A_287 = arith.constant 15 : i32
    %add3A_288 = vector.broadcast %add3A_287 : i32 to vector<16xi32>
    %add3A_289 = arith.addi %scan3A_19#12, %add3A_288 : vector<16xi32>
    %ge3A_290 = arith.constant 768 : i32
    %ge3A_291 = vector.broadcast %ge3A_290 : i32 to vector<16xi32>
    %ge3A_292 = arith.cmpi sge, %add3A_289, %ge3A_291 : vector<16xi32>
    %sub3A_293 = arith.constant 768 : i32
    %sub3A_294 = vector.broadcast %sub3A_293 : i32 to vector<16xi32>
    %sub3A_295 = arith.subi %add3A_289, %sub3A_294 : vector<16xi32>
    %select_n3A_296 = arith.select %ge3A_292, %sub3A_295, %add3A_289 : vector<16xi1>, vector<16xi32>
    %gather3A_297 = tpu.vector_load_idx %arg10[%iota3A, %select_n3A_296] : memref<16x768xf32, #tpu.memory_space<vmem>>[vector<16xi32>, vector<16xi32>], vector<16xf32>,
    %gather3A_298 = tpu.vector_load_idx %arg11[%iota3A, %select_n3A_296] : memref<16x768xf32, #tpu.memory_space<vmem>>[vector<16xi32>, vector<16xi32>], vector<16xf32>,
    %mul3A_299 = arith.mulf %gather3A_297, %gather3A_298 : vector<16xf32>
    %add3A_300 = arith.addf %add3A_228, %mul3A_299 : vector<16xf32>
    %mul3A_301 = arith.mulf %gather3A_297, %gather3A_297 : vector<16xf32>
    %add3A_302 = arith.addf %add3A_230, %mul3A_301 : vector<16xf32>
    %mul3A_303 = arith.mulf %gather3A_298, %gather3A_298 : vector<16xf32>
    %add3A_304 = arith.addf %add3A_232, %mul3A_303 : vector<16xf32>
    %add3A_305 = arith.addf %add3A_246, %add3A_264 : vector<16xf32>
    %add3A_306 = arith.addf %add3A_305, %add3A_282 : vector<16xf32>
    %add3A_307 = arith.addf %add3A_306, %add3A_300 : vector<16xf32>
    %swap3A = arith.constant 0 : index
    %swap3A_308 = tpu.vector_load %arg12[%swap3A] {strides = array<i32>} : memref<16xf32, #tpu.memory_space<vmem>>, vector<16xf32>,
    tpu.vector_store %arg12[%swap3A], %add3A_307 {strides = array<i32>} : memref<16xf32, #tpu.memory_space<vmem>>, vector<16xf32>,
    %add3A_309 = arith.addf %add3A_248, %add3A_266 : vector<16xf32>
    %add3A_310 = arith.addf %add3A_309, %add3A_284 : vector<16xf32>
    %add3A_311 = arith.addf %add3A_310, %add3A_302 : vector<16xf32>
    %swap3A_312 = arith.constant 0 : index
    %swap3A_313 = tpu.vector_load %arg13[%swap3A_312] {strides = array<i32>} : memref<16xf32, #tpu.memory_space<vmem>>, vector<16xf32>,
    tpu.vector_store %arg13[%swap3A_312], %add3A_311 {strides = array<i32>} : memref<16xf32, #tpu.memory_space<vmem>>, vector<16xf32>,
    %add3A_314 = arith.addf %add3A_250, %add3A_268 : vector<16xf32>
    %add3A_315 = arith.addf %add3A_314, %add3A_286 : vector<16xf32>
    %add3A_316 = arith.addf %add3A_315, %add3A_304 : vector<16xf32>
    %swap3A_317 = arith.constant 0 : index
    %swap3A_318 = tpu.vector_load %arg14[%swap3A_317] {strides = array<i32>} : memref<16xf32, #tpu.memory_space<vmem>>, vector<16xf32>,
    tpu.vector_store %arg14[%swap3A_317], %add3A_316 {strides = array<i32>} : memref<16xf32, #tpu.memory_space<vmem>>, vector<16xf32>,
    "tpu.region"() ({
      %run_scoped3A = tpu.sem_alloc : memref<!tpu.dma_semaphore, #tpu.memory_space<semaphore_mem>>
      %dma_start3A_319 = tpu.memref_slice %arg5[%mul3A_2] : memref<512xf32, #tpu.memory_space<hbm>> -> memref<16xf32, #tpu.memory_space<hbm>>
      %dma_start3A_320 = tpu.memref_slice %arg5[%mul3A_2] : memref<512xf32, #tpu.memory_space<hbm>> -> memref<16xf32, #tpu.memory_space<hbm>>
      tpu.enqueue_dma source(%arg12 : memref<16xf32, #tpu.memory_space<vmem>>) target(%dma_start3A_320 : memref<16xf32, #tpu.memory_space<hbm>>) target_semaphore(%run_scoped3A : memref<!tpu.dma_semaphore, #tpu.memory_space<semaphore_mem>>)
      %dma_wait3A_321 = tpu.memref_slice %arg5[%mul3A_2] : memref<512xf32, #tpu.memory_space<hbm>> -> memref<16xf32, #tpu.memory_space<hbm>>
      %dma_wait3A_322 = tpu.memref_slice %arg5[%mul3A_2] : memref<512xf32, #tpu.memory_space<hbm>> -> memref<16xf32, #tpu.memory_space<hbm>>
      tpu.wait_dma2 semaphore(%run_scoped3A : memref<!tpu.dma_semaphore, #tpu.memory_space<semaphore_mem>>) src(%arg12 : memref<16xf32, #tpu.memory_space<vmem>>) dst(%dma_wait3A_322 : memref<16xf32, #tpu.memory_space<hbm>>)
      tpu.yield
    }) : () -> ()
    "tpu.region"() ({
      %run_scoped3A = tpu.sem_alloc : memref<!tpu.dma_semaphore, #tpu.memory_space<semaphore_mem>>
      %dma_start3A_319 = tpu.memref_slice %arg6[%mul3A_2] : memref<512xf32, #tpu.memory_space<hbm>> -> memref<16xf32, #tpu.memory_space<hbm>>
      %dma_start3A_320 = tpu.memref_slice %arg6[%mul3A_2] : memref<512xf32, #tpu.memory_space<hbm>> -> memref<16xf32, #tpu.memory_space<hbm>>
      tpu.enqueue_dma source(%arg13 : memref<16xf32, #tpu.memory_space<vmem>>) target(%dma_start3A_320 : memref<16xf32, #tpu.memory_space<hbm>>) target_semaphore(%run_scoped3A : memref<!tpu.dma_semaphore, #tpu.memory_space<semaphore_mem>>)
      %dma_wait3A_321 = tpu.memref_slice %arg6[%mul3A_2] : memref<512xf32, #tpu.memory_space<hbm>> -> memref<16xf32, #tpu.memory_space<hbm>>
      %dma_wait3A_322 = tpu.memref_slice %arg6[%mul3A_2] : memref<512xf32, #tpu.memory_space<hbm>> -> memref<16xf32, #tpu.memory_space<hbm>>
      tpu.wait_dma2 semaphore(%run_scoped3A : memref<!tpu.dma_semaphore, #tpu.memory_space<semaphore_mem>>) src(%arg13 : memref<16xf32, #tpu.memory_space<vmem>>) dst(%dma_wait3A_322 : memref<16xf32, #tpu.memory_space<hbm>>)
      tpu.yield
    }) : () -> ()
    "tpu.region"() ({
      %run_scoped3A = tpu.sem_alloc : memref<!tpu.dma_semaphore, #tpu.memory_space<semaphore_mem>>
      %dma_start3A_319 = tpu.memref_slice %arg7[%mul3A_2] : memref<512xf32, #tpu.memory_space<hbm>> -> memref<16xf32, #tpu.memory_space<hbm>>
      %dma_start3A_320 = tpu.memref_slice %arg7[%mul3A_2] : memref<512xf32, #tpu.memory_space<hbm>> -> memref<16xf32, #tpu.memory_space<hbm>>
      tpu.enqueue_dma source(%arg14 : memref<16xf32, #tpu.memory_space<vmem>>) target(%dma_start3A_320 : memref<16xf32, #tpu.memory_space<hbm>>) target_semaphore(%run_scoped3A : memref<!tpu.dma_semaphore, #tpu.memory_space<semaphore_mem>>)
      %dma_wait3A_321 = tpu.memref_slice %arg7[%mul3A_2] : memref<512xf32, #tpu.memory_space<hbm>> -> memref<16xf32, #tpu.memory_space<hbm>>
      %dma_wait3A_322 = tpu.memref_slice %arg7[%mul3A_2] : memref<512xf32, #tpu.memory_space<hbm>> -> memref<16xf32, #tpu.memory_space<hbm>>
      tpu.wait_dma2 semaphore(%run_scoped3A : memref<!tpu.dma_semaphore, #tpu.memory_space<semaphore_mem>>) src(%arg14 : memref<16xf32, #tpu.memory_space<vmem>>) dst(%dma_wait3A_322 : memref<16xf32, #tpu.memory_space<hbm>>)
      tpu.yield
    }) : () -> ()
    return
  }
}

module attributes {stable_mosaic.version = 14 : i64} {
  func.func @_tc_finish_body(%arg0: memref<4x128xf32, #tpu.memory_space<vmem>>, %arg1: memref<4x128xf32, #tpu.memory_space<vmem>>, %arg2: memref<4x128xf32, #tpu.memory_space<vmem>>, %arg3: memref<4x128xf32, #tpu.memory_space<vmem>>, %arg4: memref<1x1xf32, #tpu.memory_space<smem>>) attributes {dimension_semantics = [], scalar_prefetch = 0 : i64, scratch_operands = 0 : i64, tpu.core_type = #tpu.core_type<tc>} {
    %get3A = arith.constant 0 : index
    %get3A_0 = arith.constant 0 : index
    %get3A_1 = vector.load %arg0[%get3A, %get3A_0] : memref<4x128xf32, #tpu.memory_space<vmem>>, vector<4x128xf32>
    %get3A_2 = arith.constant 0 : index
    %get3A_3 = arith.constant 0 : index
    %get3A_4 = vector.load %arg1[%get3A_2, %get3A_3] : memref<4x128xf32, #tpu.memory_space<vmem>>, vector<4x128xf32>
    %sqrt3A = math.sqrt %get3A_4 : vector<4x128xf32>
    %max3A = arith.constant 9.99999993E-9 : f32
    %max3A_5 = vector.broadcast %max3A : f32 to vector<4x128xf32>
    %max3A_6 = arith.maximumf %sqrt3A, %max3A_5 : vector<4x128xf32>
    %get3A_7 = arith.constant 0 : index
    %get3A_8 = arith.constant 0 : index
    %get3A_9 = vector.load %arg2[%get3A_7, %get3A_8] : memref<4x128xf32, #tpu.memory_space<vmem>>, vector<4x128xf32>
    %sqrt3A_10 = math.sqrt %get3A_9 : vector<4x128xf32>
    %max3A_11 = arith.constant 9.99999993E-9 : f32
    %max3A_12 = vector.broadcast %max3A_11 : f32 to vector<4x128xf32>
    %max3A_13 = arith.maximumf %sqrt3A_10, %max3A_12 : vector<4x128xf32>
    %mul3A = arith.mulf %max3A_6, %max3A_13 : vector<4x128xf32>
    %get3A_14 = arith.constant 0 : index
    %get3A_15 = arith.constant 0 : index
    %get3A_16 = vector.load %arg3[%get3A_14, %get3A_15] : memref<4x128xf32, #tpu.memory_space<vmem>>, vector<4x128xf32>
    %div3A = arith.divf %get3A_1, %mul3A : vector<4x128xf32>
    %sub3A = arith.constant 1.000000e+00 : f32
    %sub3A_17 = vector.broadcast %sub3A : f32 to vector<4x128xf32>
    %sub3A_18 = arith.subf %sub3A_17, %div3A : vector<4x128xf32>
    %mul3A_19 = arith.mulf %sub3A_18, %get3A_16 : vector<4x128xf32>
    %reduce_sum3A = vector.shape_cast %mul3A_19 : vector<4x128xf32> to vector<1x4x128xf32>
    %reduce_sum3A_20 = arith.constant dense<0.000000e+00> : vector<1xf32>
    %reduce_sum3A_21 = vector.multi_reduction <add>, %reduce_sum3A, %reduce_sum3A_20 [1, 2] : vector<1x4x128xf32> to vector<1xf32>
    %reduce_sum3A_22 = vector.shape_cast %reduce_sum3A_21 : vector<1xf32> to vector<1x1x1xf32>
    %reduce_sum3A_23 = vector.extract %reduce_sum3A_22[0, 0, 0] : f32 from vector<1x1x1xf32>
    %reduce_sum3A_24 = vector.shape_cast %get3A_16 : vector<4x128xf32> to vector<1x4x128xf32>
    %reduce_sum3A_25 = arith.constant dense<0.000000e+00> : vector<1xf32>
    %reduce_sum3A_26 = vector.multi_reduction <add>, %reduce_sum3A_24, %reduce_sum3A_25 [1, 2] : vector<1x4x128xf32> to vector<1xf32>
    %reduce_sum3A_27 = vector.shape_cast %reduce_sum3A_26 : vector<1xf32> to vector<1x1x1xf32>
    %reduce_sum3A_28 = vector.extract %reduce_sum3A_27[0, 0, 0] : f32 from vector<1x1x1xf32>
    %gt3A = arith.constant 0.000000e+00 : f32
    %gt3A_29 = arith.cmpf ogt, %reduce_sum3A_28, %gt3A : f32
    %max3A_30 = arith.constant 1.000000e+00 : f32
    %max3A_31 = arith.maximumf %reduce_sum3A_28, %max3A_30 : f32
    %div3A_32 = arith.divf %reduce_sum3A_23, %max3A_31 : f32
    %jit3A = arith.constant 0.000000e+00 : f32
    %select_n3A = arith.select %gt3A_29, %div3A_32, %jit3A : f32
    %swap3A = arith.constant 0 : index
    %swap3A_33 = arith.constant 0 : index
    %swap3A_34 = memref.load %arg4[%swap3A, %swap3A_33] : memref<1x1xf32, #tpu.memory_space<smem>>
    memref.store %select_n3A, %arg4[%swap3A, %swap3A_33] : memref<1x1xf32, #tpu.memory_space<smem>>
    return
  }
}

</mosaic_0001>

<sc_bundles>
// kernel: kernel.4.cloned.1.call-start
scs
__scs_entry_jumppad:
0x0: {  	(pc) =	sbr.rel $0x88, $3  }
0x1: {  	(tag) =	ssettag $0x0;
	lr =	simm.s32 $0x1  }
0x2: {  	[smem:$0x3F9B] =	sst lr;
	_ =	strace $0xD0000000  }
0x3: {  	_ = 	snop  }
0x4: {  	_ = 	snop  }
0x5: {  	_ = 	snop  }
0x6: {  	_ = 	snop  }
0x7: {  	_ = 	snop  }
__scs_overlays_trampoline_lowered:
0x8: {  	[smem:$0x3FAA] =	sst s0  }
0x9: {  	[smem:$0x3FAB] =	sst s1  }
0xa: {  	[smem:$0x3FAC] =	sst s2  }
0xb: {  	[smem:$0x3FAD] =	sst s3  }
0xc: {  	[smem:$0x3FAE] =	sst s4  }
0xd: {  	[smem:$0x3FAF] =	sst s5  }
0xe: {  	[smem:$0x3FB0] =	sst s6  }
0xf: {  	[smem:$0x3FB1] =	sst s7  }
0x10: {  	[smem:$0x3FB2] =	sst s8  }
0x11: {  	[smem:$0x3FB3] =	sst s9;
	s0 =	simm.s32 @!p0 $0x0  }
0x12: {  	s1 =	sld [smem:$0x3F99];
	s0 =	simm.s32 @p0 $0x1  }
0x13: {  	[smem:$0x3FB4] =	sst s0;
	s0 =	simm.s32 @!p1 $0x0  }
0x14: {  	s2 =	sld [smem:$0x3F98];
	s0 =	simm.s32 @p1 $0x1  }
0x15: {  	[smem:$0x3FB5] =	sst s0;
	s0 =	simm.s32 @!p2 $0x0  }
0x16: {  	s3 =	sld [smem:$0x3FDB];
	s0 =	simm.s32 @p2 $0x1  }
0x17: {  	s4 =	simm.s32 $0x1BF5;
	[smem:$0x3FB7] =	sst s0  }
0x18: {  	s0 =	sld [smem:$0x3F9A];
	_ =	swait.ge [sflag:s4], $0x0  }
0x19: {  	s7 =	sld [smem:$0x3F9B]  }
0x1a: {  	s8 =	sadd.s32 $0xFFFFE003, lr  }
0x1b: {  	s9 =	sadd.s32 $0xFFFFFEF7, lr;
	s5 =	simm.s32 $0xFFFFFFFF;
	p2 =	slt.u32 s8, $0xFFFFF086  }
0x1c: {  	p1 =	slt.u32 s9, $0xF7A;
	s5 =	simm.s32 @!p2 $0x0  }
0x1d: {  	s5 =	simm.s32 @p1 $0x1;
	p0 =	seq.s32 s7, s2  }
0x1e: {  	s7 =	smul.u32 @!p0 $0xF7A, s2;
	p2 =	seq.s32 @!p0 s5, $0x0  }
0x1f: {  	s9 =	smul.u32 $0xF7A, s1;
	s8 =	simm.s32 @!p0 $0x1BF5;
	p2 =	por !p2, p0  }
0x20: {  	[sflag:s8] =	ssyncset.s32 @!p0 $0xFFFFF086;
	s6 =	sadd.s32 @!p0 s3, s7;
	s7 =	simm.s32 @!p0 $0x108  }
0x21: {  	s3 =	sadd.s32 s3, s9;
	s6 =	sadd.s32 @!p0 $0x88, s6;
	s7 =	simm.s32 @p2 $0x1082  }
0x22: {  	[simem:s7], [sflag:s8] =	dma.local @!p0 [hbm:s6], $0xF7A  }
0x23: {  	s9 =	sor.u32 $0xD0000000, s2;
	s6 =	simm.s32 $0x108;
	_ =	swait.ge @!p0 [sflag:s8], $0x0  }
0x24: {  	s3 =	sadd.s32 $0x88, s3;
	s6 =	simm.s32 @!p1 $0x1082;
	[sflag:s4] =	ssyncset.s32 $0xFFFFF086  }
0x25: {  	[simem:s6], [sflag:s4] =	dma.local [hbm:s3], $0xF7A  }
0x26: {  	[smem:$0x3F9B] =	sst s1;
	(tag) =	ssettag s2;
	_ =	strace s9  }
0x27: {  	s1 =	sld [smem:$0x3FAB]  }
0x28: {  	s2 =	sld [smem:$0x3FAC]  }
0x29: {  	s4 =	sld [smem:$0x3FAE]  }
0x2a: {  	p0 =	seq.s32 s5, $0x0;
	s5 =	sld [smem:$0x3FAF]  }
0x2b: {  	s6 =	sld [smem:$0x3FB0]  }
0x2c: {  	s7 =	sld [smem:$0x3FB1]  }
0x2d: {  	s3 =	simm.s32 $0x108;
	s8 =	sld [smem:$0x3FB2]  }
0x2e: {  	s3 =	simm.s32 @!p0 $0x1082;
	s9 =	sld [smem:$0x3FB3]  }
0x2f: {  	lr =	sadd.s32 s0, s3;
	s0 =	sld [smem:$0x3FAA]  }
0x30: {  	s3 =	sld [smem:$0x3FAD]  }
0x31: {  	[smem:$0x3FB6] =	sst s10  }
0x32: {  	s10 =	sld [smem:$0x3FB4];
	_ =	sdelay $0x3  }
0x33: {  	p0 =	seq.s32 s10, $0x1;
	s10 =	sld [smem:$0x3FB6];
	_ =	sdelay $0x3  }
0x34: {  	[smem:$0x3FB6] =	sst s10  }
0x35: {  	s10 =	sld [smem:$0x3FB5];
	_ =	sdelay $0x3  }
0x36: {  	p1 =	seq.s32 s10, $0x1;
	s10 =	sld [smem:$0x3FB6];
	_ =	sdelay $0x3  }
0x37: {  	[smem:$0x3FB6] =	sst s10  }
0x38: {  	s10 =	sld [smem:$0x3FB7]  }
0x39: {  	_ = 	snop;
	(pc) =	sbr.ind lr, $3  }
0x3a: {  	_ = 	snop  }
0x3b: {  	_ = 	snop  }
0x3c: {  	p2 =	seq.s32 s10, $0x1;
	s10 =	sld [smem:$0x3FB6]  }
0x3d: {  	_ =	shalt  }
0x3e: {  	_ =	shalt  }
0x3f: {  	_ =	shalt  }
0x40: {  	_ =	shalt  }
0x41: {  	_ =	shalt  }
0x42: {  	_ =	shalt  }
0x43: {  	_ =	shalt  }
0x44: {  	_ =	shalt  }
0x45: {  	_ =	shalt  }
0x46: {  	_ =	shalt  }
0x47: {  	_ =	shalt  }
0x48: {  	_ =	shalt  }
0x49: {  	_ =	shalt  }
0x4a: {  	_ =	shalt  }
0x4b: {  	_ =	shalt  }
0x4c: {  	_ =	shalt  }
0x4d: {  	_ =	shalt  }
0x4e: {  	_ =	shalt  }
0x4f: {  	_ =	shalt  }
0x50: {  	_ =	shalt  }
0x51: {  	_ =	shalt  }
0x52: {  	_ =	shalt  }
0x53: {  	_ =	shalt  }
0x54: {  	_ =	shalt  }
0x55: {  	_ =	shalt  }
0x56: {  	_ =	shalt  }
0x57: {  	_ =	shalt  }
0x58: {  	_ =	shalt  }
0x59: {  	_ =	shalt  }
0x5a: {  	_ =	shalt  }
0x5b: {  	_ =	shalt  }
0x5c: {  	_ =	shalt  }
0x5d: {  	_ =	shalt  }
0x5e: {  	_ =	shalt  }
0x5f: {  	_ =	shalt  }
0x60: {  	_ =	shalt  }
0x61: {  	_ =	shalt  }
0x62: {  	_ =	shalt  }
0x63: {  	_ =	shalt  }
0x64: {  	_ =	shalt  }
0x65: {  	_ =	shalt  }
0x66: {  	_ =	shalt  }
0x67: {  	_ =	shalt  }
0x68: {  	_ =	shalt  }
0x69: {  	_ =	shalt  }
0x6a: {  	_ =	shalt  }
0x6b: {  	_ =	shalt  }
0x6c: {  	_ =	shalt  }
0x6d: {  	_ =	shalt  }
0x6e: {  	_ =	shalt  }
0x6f: {  	_ =	shalt  }
0x70: {  	_ =	shalt  }
0x71: {  	_ =	shalt  }
0x72: {  	_ =	shalt  }
0x73: {  	_ =	shalt  }
0x74: {  	_ =	shalt  }
0x75: {  	_ =	shalt  }
0x76: {  	_ =	shalt  }
0x77: {  	_ =	shalt  }
0x78: {  	_ =	shalt  }
0x79: {  	_ =	shalt  }
0x7a: {  	_ =	shalt  }
0x7b: {  	_ =	shalt  }
0x7c: {  	_ =	shalt  }
0x7d: {  	_ =	shalt  }
0x7e: {  	_ =	shalt  }
0x7f: {  	_ =	shalt  }
0x80: {  	_ =	shalt  }
0x81: {  	_ =	shalt  }
0x82: {  	_ =	shalt  }
0x83: {  	_ =	shalt  }
0x84: {  	_ =	shalt  }
0x85: {  	_ =	shalt  }
0x86: {  	_ =	shalt  }
0x87: {  	_ =	shalt  }
.Lfunc_end0:
.L_simem_size_0:
called_computation_lowered:
.L_overlay_start_0:
0x88: {  	s2 =	sld [smem:$0x3FD9]  }
0x89: {  	s3 =	sld [smem:$0x3FFE];
	_ =	sdelay $0x1  }
0x8a: {  	s1 =	srdreg.scid  }
0x8b: {  	s0 =	sand.u32 $0x1, s1  }
0x8c: {  	s17 =	sshll.u32 s0, $0xA;
	s2 =	sadd.s32 s3, s2  }
0x8d: {  	s2 =	sadd.s32 s2, s17  }
0x8e: {  	[smem:$0x3FC2] =	sst s2  }
0x8f: {  	_ = 	snop  }
0x90: {  	s2 =	sld [smem:$0x3FC9]  }
0x91: {  	s18 =	sld [smem:$0x3FC8];
	(tm) =	ssettm $0x1  }
0x92: {  	s4 =	sld [smem:$0x3FFB];
	_ =	sdelay $0x3  }
0x93: {  	_ =	strace s4  }
0x94: {  	s4 =	sld [smem:$0x3FFC];
	_ =	sdelay $0x3  }
0x95: {  	_ =	strace s4  }
0x96: {  	s4 =	sld [smem:$0x3FFD];
	_ =	sdelay $0x3  }
0x97: {  	_ =	strace s4  }
0x98: {  	_ =	strace $0x8FFFFFFF  }
0x99: {  	s19 =	sld [smem:$0x3FDB];
	_ =	sdelay $0x1  }
0x9a: {  	s5 =	simm.s32 $_scs_section_size  }
0x9b: {  	s6 =	simm.s32 $_size__tile_overlayer_lowered;
	s7 =	simm.s32 $_tile_overlayer_lowered  }
0x9c: {  	s22 =	simm.s32 $0x1BFF;
	s21 =	sshll.u32 s7, $0x1;
	s4 =	sadd.s32 s5, s19  }
0x9d: {  	s8 =	simm.s32 $0x0;
	s20 =	sshll.u32 s6, $0x1;
	s6 =	sadd.s32 s21, s4  }
0x9e: {  	[timem:s8], [sflag:s22] =	dma.local [hbm:s6], s20  }
0x9f: {  	_ =	swait.ge [sflag:s22], s20  }
0xa0: {  	s5 =	ssub.s32 $0x0, s20;
	[sflag:s22] =	ssyncset.done $0x0  }
0xa1: {  	[sflag:s22] =	ssyncadd.s32 s5;
	_ =	sdelay $0x1  }
0xa2: {  	s23 =	simm.s32 $0x1B8B  }
0xa3: {  	_ =	swait.ge [sflag:s23], $0x1  }
0xa4: {  	[sflag:s23] =	ssyncset.done $0x0  }
0xa5: {  	s25 =	simm.s32 $0x1B8E;
	s24 =	sld [smem:$0x3FFE];
	[sflag:s23] =	ssyncadd.s32 $0xFFFFFFFF  }
0xa6: {  	s26 =	simm.s32 $execute0_lowered;
	[smem:$0x3FD2] =	sst s25  }
0xa7: {  	s6 =	sshll.u32 s26, $0x1;
	_ =	strace $0x80000046;
	[dreg:$0x1] =	wrdreg $0xFFFFFFFF  }
0xa8: {  	s28 =	simm.s32 $_size_execute0_lowered;
	s4 =	sadd.s32 s4, s6;
	[dreg:$0x0] =	wrdreg $0x0  }
0xa9: {  	s6 =	sshll.u32 s28, $0x1;
	[dreg:$0x2] =	wrdreg s4  }
0xaa: {  	[dreg:$0x3] =	wrdreg s6  }
0xab: {  	[dreg:$0x4] =	wrdreg $0xC0  }
0xac: {  	_ =	task [dreg:s8], $0x5FFFF  }
0xad: {  	[dreg:$0x1] =	wrdreg $0xFFFFFFFF  }
0xae: {  	[dreg:$0x0] =	wrdreg $0x60  }
0xaf: {  	[dreg:$0x2] =	wrdreg s2  }
0xb0: {  	[dreg:$0x3] =	wrdreg s18  }
0xb1: {  	[dreg:$0x4] =	wrdreg s24  }
0xb2: {  	[dreg:$0x5] =	wrdreg $0x9  }
0xb3: {  	_ =	task.clear_ibuf [dreg:s8], $0x6FFFF;
	_ =	strace $0x90000046  }
0xb4: {  	s29 =	simm.s32 $0x9;
	_ =	strace $0x80000048  }
0xb5: {  	_ =	swait.ge [sflag:s29], $0x1  }
0xb6: {  	[sflag:s29] =	ssyncadd.s32 $0xFFFFFFFF  }
0xb7: {  	_ =	strace $0x90000048  }
0xb8: {  	_ =	sfence  }
0xb9: {  	s30 =	sld [smem:$0x0];
	_ =	sdelay $0x2  }
0xba: {  	s31 =	sshll.u32 s1, $0xD;
	s1 =	sshrl.u32 s1, $0x2  }
0xbb: {  	s3 =	sand.u32 $0x4000, s31;
	s1 =	sadd.s32 s1, s30  }
0xbc: {  	s0 =	sor.u32 s3, s0;
	s1 =	sshll.u32 s1, $0x11  }
0xbd: {  	s0 =	sor.u32 s1, s0  }
0xbe: {  	s0 =	sadd.s32 $0x8F2B, s0  }
0xbf: {  	[sflag:s0] =	ssyncadd.remote.s32 $0x1  }
0xc0: {  	_ =	sfence.sel $0xFFFF  }
0xc1: {  	[dreg:$0x0] =	wrdreg $0xFFFFFFFF;
	(pc) =	sbr.abs _section_cstart, $3  }
0xc2: {  	[dreg:$0x1] =	wrdreg $0xFFFFFFFF  }
0xc3: {  	_ =	task.clear_ibuf [dreg:s8], $0x2FFFF;
	_ =	strace $0x9FFFFFFF  }
0xc4: {  	(tm) =	ssettm $0x7FFFFFFF  }
0xc5: {  	_ =	shalt  }
tec
execute0_lowered:
.L_overlay_start_1:
0x0: {  	(tag) =	ssettag $0x1  }
0x1: {  	s1 =	rddreg [dreg:$0x0];
	v0 =	vimm.s32 $0x1B80;
	vm0 =	vcmask $0x300  }
0x2: {  	s2 =	rddreg [dreg:$0x1];
	v0 =	vsel vm0, $0x0, v0;
	vm0 =	vcmask $0x704  }
0x3: {  	s0 =	rddreg [dreg:$0x2];
	s3 =	srdreg.scid;
	v0 =	vsel vm0, $0x80, v0;
	vm0 =	vcmask $0xB08  }
0x4: {  	s4 =	simm.s32 $0x0;
	s5 =	stileid.u32;
	s15 =	simm.s32 $0x3;
	v0 =	vsel vm0, $0x100, v0;
	vm0 =	vcmask $0xF0C  }
0x5: {  	s17 =	simm.s32 $0x100;
	s20 =	simm.s32 $0x1900;
	s21 =	simm.s32 $0x2100;
	v0 =	vsel vm0, $0x180, v0;
	vm0 =	vcmask $0x1310  }
0x6: {  	s22 =	simm.s32 $0x2900;
	s23 =	simm.s32 $0x3100;
	s24 =	simm.s32 $0x3900;
	v0 =	vsel vm0, $0x200, v0;
	vm0 =	vcmask $0x1714  }
0x7: {  	s25 =	simm.s32 $0x4100;
	s28 =	simm.s32 $0x5100;
	s29 =	simm.s32 $0x5900;
	v0 =	vsel vm0, $0x280, v0;
	vm0 =	vcmask $0x1B18  }
0x8: {  	s30 =	simm.s32 $0x1;
	s31 =	simm.s32 $0x2;
	s16 =	simm.s32 $0x6200;
	v0 =	vsel vm0, $0x300, v0;
	vm0 =	vcmask $0x1F1C  }
0x9: {  	s18 =	simm.s32 $0x0;
	s3 =	sand.u32 $0x1, s3;
	s5 =	sshll.u32 s5, $0x2;
	v0 =	vsel vm0, $0x380, v0;
	vm0 =	vcmask $0x2320  }
0xa: {  	[smem:$0x7FF] =	sst s4;
	s7 =	sadd.s32 $0x100, s1;
	s8 =	sadd.s32 $0x200, s1;
	v0 =	vsel vm0, $0x1800, v0;
	vm0 =	vcmask $0x2724  }
0xb: {  	s9 =	sadd.s32 $0x100, s2;
	s6 =	sshll.u32 s3, $0x1;
	s3 =	ssub.s32 $0x2, s3;
	v0 =	vsel vm0, $0x1880, v0;
	vm0 =	vcmask $0x2B28  }
0xc: {  	s10 =	sadd.s32 $0x200, s2;
	s5 =	sor.u32 s6, s5;
	s26 =	sshrl.u32 s3, $0x1;
	v0 =	vsel vm0, $0x1900, v0;
	vm0 =	vcmask $0x2F2C  }
0xd: {  	_ =	strace $0x80000047;
	s0 =	sadd.s32 s5, s0;
	s3 =	ssub.s32 s3, s26;
	v0 =	vsel vm0, $0x1980, v0;
	vm0 =	vcmask $0x3330  }
0xe: {  	s26 =	simm.s32 $0x4900;
	s5 =	sadd.s32 $0x800, s0;
	s6 =	sadd.s32 $0x840, s0;
	v0 =	vsel vm0, $0x1A00, v0;
	vm0 =	vcmask $0x3734  }
0xf: {  	vm1 =	vcmask $0x3B38;
	s11 =	sadd.s32 $0xA00, s0;
	s12 =	sadd.s32 $0xC00, s0;
	s13 =	sadd.s32 $0xE00, s0;
	v0 =	vsel vm0, $0x1A80, v0  }
0x10: {  	s14 =	smax.u32 s3, $0x1;
	s0 =	simm.s32 $0x6100;
	s3 =	simm.s32 $0x6180;
	vm0 =	vmmov $0xffff;
	v0 =	vsel vm1, $0x1B00, v0  }
.LBB2_1:
0x11: {  	[tilespmem:s4], [sflag:$0x3] =	stream.linear.gather [hbm4b:s5+s4], $0x10, $0x38;
	[tilespmem:$0x6280] =	vst v63  }
0x12: {  	_ =	swait.ge [sflag:s15], $0x10  }
0x13: {  	[sflag:s15] =	ssyncset.done $0x0  }
0x14: {  	s19 =	simm.s32 $0x80;
	[sflag:s15] =	ssyncadd.s32 $0xFFFFFFF0  }
0x15: {  	[tilespmem:s19], [sflag:$0x3] =	stream.linear.gather [hbm4b:s6+s4], $0x10, $0x38;
	[tilespmem:$0x6280] =	vst v63  }
0x16: {  	_ =	swait.ge [sflag:s15], $0x10  }
0x17: {  	[sflag:s15] =	ssyncset.done $0x0  }
0x18: {  	[sflag:s15] =	ssyncadd.s32 $0xFFFFFFF0  }
0x19: {  	v1 =	vld [tilespmem:$0x0];
	_ =	sdelay $0x4  }
0x1a: {  	v2 =	vshrl.u32 v1, $0x3  }
0x1b: {  	v2 =	vmul.u32 $0x30, v2  }
0x1c: {  	v3 =	vlaneseq.u32;
	v1 =	vand.u32 $0x7, v1  }
0x1d: {  	v4 =	vshrl.u32 v3, $0x3;
	v1 =	vor.u32 v1, v2;
	v2 =	vand.u32 $0x7, v3  }
0x1e: {  	v4 =	vmul.u32 $0x8, v4;
	v5 =	vperm.xlane v1, v2;
	_ =	sdelay $0x1  }
0x1f: {  	v5 =	vadd.s32 v4, v5;
	_ =	sdelay $0x2  }
0x20: {  	v6 =	vor.u32 $0x8, v3  }
0x21: {  	v1 =	vperm.xlane v1, v6  }
0x22: {  	[tilespmem:s17], [sflag:$0x1] =	stream.indirect_vreg.gather [hbm4b:s1+s4], $0x80, v5, vm0, $0xb8;
	[tilespmem:$0x6280] =	vst v63  }
0x23: {  	s19 =	simm.s32 $0x900;
	v1 =	vadd.s32 v4, v1  }
0x24: {  	[tilespmem:s19], [sflag:$0x1] =	stream.indirect_vreg.gather [hbm4b:s7+s4], $0x80, v5, vm0, $0xb8;
	[tilespmem:$0x6280] =	vst v63  }
0x25: {  	s19 =	simm.s32 $0x1100  }
0x26: {  	[tilespmem:s19], [sflag:$0x1] =	stream.indirect_vreg.gather [hbm4b:s8+s4], $0x80, v5, vm0, $0xb8;
	[tilespmem:$0x6280] =	vst v63  }
0x27: {  	_ = 	snop  }
0x28: {  	[tilespmem:s20], [sflag:$0x1] =	stream.indirect_vreg.gather [hbm4b:s1+s4], $0x80, v1, vm0, $0xb8;
	[tilespmem:$0x6280] =	vst v63  }
0x29: {  	_ = 	snop  }
0x2a: {  	[tilespmem:s21], [sflag:$0x1] =	stream.indirect_vreg.gather [hbm4b:s7+s4], $0x80, v1, vm0, $0xb8;
	[tilespmem:$0x6280] =	vst v63  }
0x2b: {  	_ = 	snop  }
0x2c: {  	[tilespmem:s22], [sflag:$0x1] =	stream.indirect_vreg.gather [hbm4b:s8+s4], $0x80, v1, vm0, $0xb8;
	[tilespmem:$0x6280] =	vst v63  }
0x2d: {  	v1 =	vld [tilespmem:$0x80];
	_ =	sdelay $0x4  }
0x2e: {  	v5 =	vshrl.u32 v1, $0x3  }
0x2f: {  	v5 =	vmul.u32 $0x30, v5  }
0x30: {  	v1 =	vand.u32 $0x7, v1  }
0x31: {  	v1 =	vor.u32 v1, v5  }
0x32: {  	v2 =	vperm.xlane v1, v2;
	_ =	sdelay $0x1  }
0x33: {  	v2 =	vadd.s32 v4, v2;
	_ =	sdelay $0x3  }
0x34: {  	v1 =	vperm.xlane v1, v6  }
0x35: {  	[tilespmem:s23], [sflag:$0x2] =	stream.indirect_vreg.gather [hbm4b:s2+s4], $0x80, v2, vm0, $0xb8;
	[tilespmem:$0x6280] =	vst v63  }
0x36: {  	v1 =	vadd.s32 v4, v1  }
0x37: {  	[tilespmem:s24], [sflag:$0x2] =	stream.indirect_vreg.gather [hbm4b:s9+s4], $0x80, v2, vm0, $0xb8;
	[tilespmem:$0x6280] =	vst v63  }
0x38: {  	_ = 	snop  }
0x39: {  	[tilespmem:s25], [sflag:$0x2] =	stream.indirect_vreg.gather [hbm4b:s10+s4], $0x80, v2, vm0, $0xb8;
	[tilespmem:$0x6280] =	vst v63  }
0x3a: {  	_ = 	snop  }
0x3b: {  	[tilespmem:s26], [sflag:$0x2] =	stream.indirect_vreg.gather [hbm4b:s2+s4], $0x80, v1, vm0, $0xb8;
	[tilespmem:$0x6280] =	vst v63  }
0x3c: {  	v10 =	vimm.f32 $0.0e+00;
	v17 =	vimm.f32 $0.0e+00;
	v19 =	vimm.f32 $0.0e+00  }
0x3d: {  	v18 =	vimm.f32 $0.0e+00;
	v7 =	vshll.u32 v3, $0x3;
	v2 =	vadd.s32 $0x3, v3;
	[tilespmem:s28], [sflag:$0x2] =	stream.indirect_vreg.gather [hbm4b:s9+s4], $0x80, v1, vm0, $0xb8;
	[tilespmem:$0x6280] =	vst v63  }
0x3e: {  	v9 =	vadd.s32 $0x2, v3;
	v4 =	vand.u32 $0x7F, v2;
	v2 =	vshll.u32 v2, $0x3  }
0x3f: {  	v8 =	vadd.s32 $0x1, v3;
	v11 =	vshll.u32 v9, $0x3;
	v2 =	vand.u32 $0xFFFFFC00, v2;
	[tilespmem:s29], [sflag:$0x2] =	stream.indirect_vreg.gather [hbm4b:s10+s4], $0x80, v1, vm0, $0xb8;
	[tilespmem:$0x6280] =	vst v63  }
0x40: {  	v7 =	vand.u32 $0xFFFFFC00, v7;
	v11 =	vand.u32 $0xFFFFFC00, v11;
	v2 =	vor.u32 v4, v2;
	_ =	swait.ge [sflag:s30], $0x3000  }
0x41: {  	v5 =	vadd.s32 $0x4, v3;
	v4 =	vand.u32 $0x7F, v9;
	v2 =	vadd.s32 v0, v2;
	[sflag:s30] =	ssyncset.done $0x0  }
0x42: {  	v4 =	vor.u32 v4, v11;
	v1 =	vand.u32 $0x7F, v8;
	v8 =	vshll.u32 v8, $0x3;
	[sflag:s30] =	ssyncadd.s32 $0xFFFFD000  }
0x43: {  	v6 =	vand.u32 $0x7F, v3;
	v4 =	vadd.s32 v0, v4;
	v8 =	vand.u32 $0xFFFFFC00, v8;
	_ =	swait.ge [sflag:s31], $0x3000  }
0x44: {  	v9 =	vand.u32 $0x7F, v5;
	v5 =	vshll.u32 v5, $0x3;
	v1 =	vor.u32 v1, v8;
	[sflag:s31] =	ssyncset.done $0x0  }
0x45: {  	v5 =	vand.u32 $0xFFFFFC00, v5;
	v11 =	vadd.s32 v0, v1;
	v1 =	vor.u32 v6, v7;
	[sflag:s31] =	ssyncadd.s32 $0xFFFFD000  }
0x46: {  	v16 =	vimm.f32 $0.0e+00;
	v5 =	vor.u32 v9, v5;
	v1 =	vadd.s32 v0, v1;
	v15 =	vld.idx.msk [tilespmem:v2+s23+$0x0], $0xffff  }
0x47: {  	v12 =	vimm.f32 $0.0e+00;
	v23 =	vadd.s32 v0, v5;
	v6 =	vadd.s32 $0x7, v3;
	v22 =	vld.idx.msk [tilespmem:v2+s17+$0x0], $0xffff  }
0x48: {  	v13 =	vimm.f32 $0.0e+00;
	v26 =	vadd.s32 $0x5, v3;
	v5 =	vshll.u32 v6, $0x3;
	v14 =	vld.idx.msk [tilespmem:v4+s17+$0x0], $0xffff  }
0x49: {  	v7 =	vadd.s32 $0x6, v3;
	v6 =	vand.u32 $0x7F, v6;
	v2 =	vand.u32 $0xFFFFFC00, v5;
	v21 =	vld.idx.msk [tilespmem:v4+s23+$0x0], $0xffff  }
0x4a: {  	v8 =	vimm.f32 $0.0e+00;
	v5 =	vshll.u32 v7, $0x3;
	v2 =	vor.u32 v6, v2;
	v9 =	vld.idx.msk [tilespmem:v11+s23+$0x0], $0xffff  }
0x4b: {  	v6 =	vand.u32 $0x7F, v7;
	v5 =	vand.u32 $0xFFFFFC00, v5;
	v20 =	vadd.s32 v0, v2;
	v24 =	vld.idx.msk [tilespmem:v1+s23+$0x0], $0xffff  }
0x4c: {  	v4 =	vimm.f32 $0.0e+00;
	v7 =	vimm.f32 $0.0e+00;
	v27 =	vor.u32 v6, v5;
	v6 =	vld.idx.msk [tilespmem:v23+s17+$0x0], $0xffff  }
0x4d: {  	s19 =	simm.s32 $0x5D;
	v5 =	vadd.s32 $0x8, v3;
	v25 =	vld.idx.msk [tilespmem:v1+s17+$0x0], $0xffff;
	v3 =	vimm.f32 $0.0e+00;
	v2 =	vimm.f32 $0.0e+00  }
.LBB2_2:
0x4e: {  	v1 =	vmov v5  }
0x4f: {  	p0 =	sne.s32 s19, $0x1;
	s19 =	sadd.s32 $0xFFFFFFFF, s19;
	v28 =	vand.u32 $0x7F, v26;
	v26 =	vshll.u32 v26, $0x3;
	v27 =	vadd.s32 v0, v27;
	v23 =	vld.idx.msk [tilespmem:v23+s23+$0x0], $0xffff  }
0x50: {  	v29 =	vmul.f32 v9, v9;
	v30 =	vmul.f32 v14, v14;
	v26 =	vand.u32 $0xFFFFFC00, v26;
	v31 =	vld.idx.msk [tilespmem:v20+s17+$0x0], $0xffff  }
0x51: {  	v32 =	vmul.f32 v15, v22;
	v22 =	vmul.f32 v22, v22;
	v26 =	vor.u32 v28, v26;
	v20 =	vld.idx.msk [tilespmem:v20+s23+$0x0], $0xffff  }
0x52: {  	v28 =	vmul.f32 v24, v24;
	v10 =	vadd.f32 v29, v10;
	v29 =	vmul.f32 v6, v6;
	v11 =	vld.idx.msk [tilespmem:v11+s17+$0x0], $0xffff  }
0x53: {  	v33 =	vadd.s32 $0x7, v5;
	v15 =	vmul.f32 v15, v15;
	v26 =	vadd.s32 v0, v26  }
0x54: {  	v34 =	vand.u32 $0x7F, v33;
	v8 =	vadd.f32 v22, v8;
	v24 =	vmul.f32 v24, v25;
	v22 =	vld.idx.msk [tilespmem:v27+s17+$0x0], $0xffff  }
0x55: {  	v17 =	vadd.f32 v32, v17;
	v19 =	vadd.f32 v15, v19;
	v25 =	vmul.f32 v25, v25;
	v15 =	vld.idx.msk [tilespmem:v27+s23+$0x0], $0xffff  }
0x56: {  	v18 =	vadd.f32 v28, v18;
	v14 =	vmul.f32 v21, v14;
	v27 =	vmul.f32 v23, v23  }
0x57: {  	v21 =	vmul.f32 v21, v21;
	v16 =	vadd.f32 v24, v16;
	v24 =	vmul.f32 v31, v31  }
0x58: {  	v12 =	vadd.f32 v25, v12;
	v9 =	vmul.f32 v9, v11;
	v25 =	vmul.f32 v11, v11  }
0x59: {  	v13 =	vadd.f32 v21, v13;
	v11 =	vadd.s32 $0x3, v5;
	v8 =	vadd.f32 v24, v8  }
0x5a: {  	v24 =	vadd.s32 $0x4, v5;
	v21 =	vand.u32 $0x7F, v11;
	v32 =	vmul.f32 v22, v22;
	v28 =	vld.idx.msk [tilespmem:v26+s23+$0x0], $0xffff  }
0x5b: {  	v35 =	vand.u32 $0x7F, v5;
	v36 =	vshll.u32 v5, $0x3;
	v37 =	vmul.f32 v15, v15;
	v26 =	vld.idx.msk [tilespmem:v26+s17+$0x0], $0xffff  }
0x5c: {  	v38 =	vadd.s32 $0x1, v5;
	v39 =	vadd.s32 $0x2, v5;
	v40 =	vmul.f32 v20, v20  }
0x5d: {  	v41 =	vand.u32 $0x7F, v38;
	v42 =	vshll.u32 v39, $0x3;
	v20 =	vmul.f32 v20, v31  }
0x5e: {  	v6 =	vmul.f32 v23, v6;
	v31 =	vshll.u32 v38, $0x3;
	v38 =	vand.u32 $0xFFFFFC00, v42  }
0x5f: {  	v23 =	vand.u32 $0x7F, v39;
	v11 =	vshll.u32 v11, $0x3;
	v39 =	vmul.f32 v15, v22  }
0x60: {  	v7 =	vadd.f32 v14, v7;
	v11 =	vand.u32 $0xFFFFFC00, v11;
	v15 =	vand.u32 $0xFFFFFC00, v31  }
0x61: {  	v14 =	vor.u32 v23, v38;
	v11 =	vor.u32 v21, v11;
	v21 =	vand.u32 $0x7F, v24  }
0x62: {  	v3 =	vadd.f32 v30, v3;
	v23 =	vshll.u32 v24, $0x3;
	v22 =	vadd.s32 v0, v11  }
0x63: {  	v24 =	vand.u32 $0xFFFFFC00, v36;
	v11 =	vor.u32 v41, v15;
	v30 =	vmul.f32 v28, v28  }
0x64: {  	v31 =	vadd.s32 v0, v14;
	v3 =	vadd.f32 v32, v3;
	v11 =	vadd.s32 v0, v11  }
0x65: {  	v14 =	vor.u32 v35, v24;
	v15 =	vand.u32 $0xFFFFFC00, v23;
	v32 =	vmul.f32 v26, v26  }
0x66: {  	v4 =	vadd.f32 v9, v4;
	v35 =	vadd.s32 v0, v14;
	v14 =	vor.u32 v21, v15  }
0x67: {  	v9 =	vshll.u32 v33, $0x3;
	v23 =	vadd.s32 v0, v14;
	v10 =	vadd.f32 v30, v10;
	v15 =	vld.idx.msk [tilespmem:v22+s23+$0x0], $0xffff  }
0x68: {  	v12 =	vadd.f32 v29, v12;
	v17 =	vadd.f32 v20, v17;
	v9 =	vand.u32 $0xFFFFFC00, v9;
	v22 =	vld.idx.msk [tilespmem:v22+s17+$0x0], $0xffff  }
0x69: {  	v19 =	vadd.f32 v40, v19;
	v20 =	vor.u32 v34, v9;
	v21 =	vmul.f32 v28, v26;
	v14 =	vld.idx.msk [tilespmem:v31+s17+$0x0], $0xffff  }
.Ltmp0:
0x6a: {  	v16 =	vadd.f32 v6, v16;
	v18 =	vadd.f32 v27, v18;
	v20 =	vadd.s32 v0, v20;
	v9 =	vld.idx.msk [tilespmem:v11+s23+$0x0], $0xffff;
	(pc) =	sbr.rel @p0 .LBB2_2-.Ltmp0, $4  }
0x6b: {  	v2 =	vadd.f32 v25, v2;
	v26 =	vadd.s32 $0x6, v5;
	v4 =	vadd.f32 v21, v4;
	v24 =	vld.idx.msk [tilespmem:v35+s23+$0x0], $0xffff  }
0x6c: {  	v7 =	vadd.f32 v39, v7;
	v13 =	vadd.f32 v37, v13;
	v21 =	vshll.u32 v26, $0x3;
	v6 =	vld.idx.msk [tilespmem:v23+s17+$0x0], $0xffff  }
0x6d: {  	v27 =	vand.u32 $0x7F, v26;
	v2 =	vadd.f32 v32, v2;
	v28 =	vand.u32 $0xFFFFFC00, v21;
	v25 =	vld.idx.msk [tilespmem:v35+s17+$0x0], $0xffff  }
0x6e: {  	v26 =	vadd.s32 $0x5, v5;
	v5 =	vadd.s32 $0x8, v5;
	v27 =	vor.u32 v27, v28;
	v21 =	vld.idx.msk [tilespmem:v31+s23+$0x0], $0xffff  }
0x6f: {  	v28 =	vand.u32 $0x7F, v26  }
0x70: {  	v40 =	vshll.u32 v26, $0x3;
	v29 =	vmul.f32 v9, v9;
	v30 =	vmul.f32 v14, v14  }
0x71: {  	v27 =	vadd.s32 v0, v27;
	v31 =	vmul.f32 v15, v22;
	v41 =	vmul.f32 v22, v22  }
0x72: {  	v44 =	vmul.f32 v15, v15;
	vm1 =	vgt.s32 v5, $0x2FF;
	v47 =	vadd.s32 $0xFFFFFD08, v1  }
0x73: {  	v53 =	vadd.s32 $0x9, v1;
	v55 =	vadd.s32 $0xFFFFFD09, v1;
	v34 =	vadd.s32 $0x10, v1  }
0x74: {  	v26 =	vand.u32 $0xFFFFFC00, v40;
	v42 =	vmul.f32 v24, v24;
	v5 =	vsel vm1, v47, v5  }
0x75: {  	vm1 =	vgt.s32 v53, $0x2FF;
	v26 =	vor.u32 v28, v26;
	v10 =	vadd.f32 v29, v10  }
0x76: {  	v43 =	vmul.f32 v6, v6;
	v8 =	vadd.f32 v41, v8;
	v17 =	vadd.f32 v31, v17  }
0x77: {  	v23 =	vld.idx.msk [tilespmem:v23+s23+$0x0], $0xffff;
	v15 =	vadd.f32 v44, v19;
	v51 =	vshll.u32 v5, $0x3;
	v5 =	vand.u32 $0x7F, v5  }
0x78: {  	v48 =	vld.idx.msk [tilespmem:v20+s17+$0x0], $0xffff;
	v3 =	vadd.f32 v30, v3;
	v28 =	vadd.s32 $0xF, v1;
	v29 =	vadd.s32 $0xFFFFFD0F, v1  }
0x79: {  	v11 =	vld.idx.msk [tilespmem:v11+s17+$0x0], $0xffff;
	v26 =	vadd.s32 v0, v26;
	v45 =	vmul.f32 v24, v25;
	v46 =	vmul.f32 v25, v25  }
0x7a: {  	v52 =	vld.idx.msk [tilespmem:v20+s23+$0x0], $0xffff;
	v18 =	vadd.f32 v42, v18;
	v24 =	vand.u32 $0xFFFFFC00, v51;
	v25 =	vadd.s32 $0xE, v1  }
0x7b: {  	v49 =	vmul.f32 v21, v14;
	v5 =	vor.u32 v5, v24;
	v56 =	vmul.f32 v21, v21  }
0x7c: {  	v24 =	vsel vm1, v55, v53;
	v55 =	vadd.s32 $0xFFFFFD0B, v1;
	v50 =	vmul.f32 v23, v23  }
0x7d: {  	v16 =	vadd.f32 v45, v16;
	v5 =	vadd.s32 v0, v5;
	v57 =	vmul.f32 v48, v48  }
0x7e: {  	v12 =	vadd.f32 v46, v12;
	v32 =	vshll.u32 v24, $0x3;
	v59 =	vmul.f32 v9, v11  }
0x7f: {  	v24 =	vand.u32 $0x7F, v24;
	v11 =	vmul.f32 v11, v11;
	v63 =	vmul.f32 v52, v52  }
0x80: {  	v20 =	vmul.f32 v52, v48;
	v38 =	vmul.f32 v23, v6;
	v48 =	vadd.s32 $0xA, v1  }
0x81: {  	v23 =	vadd.s32 $0x13, v1;
	v13 =	vadd.f32 v56, v13;
	v7 =	vadd.f32 v49, v7  }
0x82: {  	v54 =	vld.idx.msk [tilespmem:v27+s17+$0x0], $0xffff;
	v32 =	vand.u32 $0xFFFFFC00, v32;
	v8 =	vadd.f32 v57, v8;
	v4 =	vadd.f32 v59, v4  }
0x83: {  	v27 =	vld.idx.msk [tilespmem:v27+s23+$0x0], $0xffff;
	vm1 =	vgt.s32 v48, $0x2FF;
	v12 =	vadd.f32 v43, v12;
	v14 =	vadd.f32 v20, v17  }
0x84: {  	v60 =	vor.u32 v24, v32;
	v15 =	vadd.f32 v63, v15;
	v6 =	vadd.f32 v38, v16  }
0x85: {  	v43 =	vadd.f32 v50, v18;
	v2 =	vadd.f32 v11, v2;
	v50 =	vadd.s32 $0xFFFFFD0A, v1  }
0x86: {  	v57 =	vadd.s32 $0xC, v1;
	v58 =	vld.idx.msk [tilespmem:v26+s23+$0x0], $0xffff;
	v21 =	vadd.s32 v0, v60;
	v51 =	vsel vm1, v50, v48  }
0x87: {  	v26 =	vld.idx.msk [tilespmem:v26+s17+$0x0], $0xffff;
	v60 =	vadd.s32 $0xD, v1;
	v53 =	vshll.u32 v51, $0x3;
	v61 =	vmul.f32 v54, v54  }
0x88: {  	v62 =	vmul.f32 v27, v27;
	v39 =	vmul.f32 v27, v54;
	v54 =	vadd.s32 $0xB, v1  }
0x89: {  	v16 =	vand.u32 $0xFFFFFC00, v53;
	vm1 =	vgt.s32 v54, $0x2FF;
	v3 =	vadd.f32 v61, v3  }
0x8a: {  	v36 =	vld.idx.msk [tilespmem:v5+s17+$0x0], $0xffff;
	v7 =	vadd.f32 v39, v7;
	v46 =	vadd.f32 v62, v13;
	v56 =	vsel vm1, v55, v54  }
0x8b: {  	v5 =	vld.idx.msk [tilespmem:v5+s23+$0x0], $0xffff;
	vm1 =	vgt.s32 v57, $0x2FF;
	v61 =	vadd.s32 $0xFFFFFD0D, v1;
	v37 =	vmul.f32 v58, v58  }
0x8c: {  	v40 =	vmul.f32 v58, v26;
	v42 =	vmul.f32 v26, v26;
	v13 =	vshll.u32 v56, $0x3  }
0x8d: {  	v58 =	vadd.s32 $0xFFFFFD0C, v1;
	v26 =	vadd.s32 $0xFFFFFD0E, v1;
	v13 =	vand.u32 $0xFFFFFC00, v13  }
0x8e: {  	v59 =	vsel vm1, v58, v57;
	vm1 =	vgt.s32 v60, $0x2FF;
	v57 =	vadd.s32 $0x11, v1  }
0x8f: {  	v58 =	vadd.s32 $0xFFFFFD11, v1;
	v10 =	vadd.f32 v37, v10;
	v4 =	vadd.f32 v40, v4  }
0x90: {  	v45 =	vmul.f32 v5, v36;
	v2 =	vadd.f32 v42, v2;
	v47 =	vmul.f32 v36, v36  }
0x91: {  	v5 =	vmul.f32 v5, v5;
	v17 =	vand.u32 $0x7F, v59;
	v62 =	vsel vm1, v61, v60  }
0x92: {  	v41 =	vld.idx.msk [tilespmem:v21+s17+$0x0], $0xffff;
	vm1 =	vgt.s32 v25, $0x2FF;
	v36 =	vadd.s32 $0xFFFFFD10, v1;
	v60 =	vadd.s32 $0x12, v1  }
0x93: {  	v44 =	vld.idx.msk [tilespmem:v21+s23+$0x0], $0xffff;
	v61 =	vadd.s32 $0xFFFFFD12, v1;
	v20 =	vand.u32 $0x7F, v62;
	v27 =	vsel vm1, v26, v25  }
0x94: {  	vm1 =	vgt.s32 v28, $0x2FF;
	v25 =	vadd.s32 $0x14, v1;
	v6 =	vadd.f32 v45, v6  }
0x95: {  	v11 =	vadd.f32 v47, v12;
	v5 =	vadd.f32 v5, v43;
	v12 =	vand.u32 $0x7F, v51  }
0x96: {  	v21 =	vand.u32 $0x7F, v27;
	v30 =	vsel vm1, v29, v28;
	vm1 =	vgt.s32 v34, $0x2FF  }
0x97: {  	v28 =	vadd.s32 $0x15, v1;
	v29 =	vadd.s32 $0xFFFFFD15, v1;
	v12 =	vor.u32 v12, v16  }
0x98: {  	v49 =	vmul.f32 v44, v41;
	v16 =	vand.u32 $0x7F, v56;
	v12 =	vadd.s32 v0, v12  }
0x99: {  	v52 =	vmul.f32 v41, v41;
	v18 =	vmul.f32 v44, v44;
	v13 =	vor.u32 v16, v13  }
0x9a: {  	v33 =	vshll.u32 v30, $0x3;
	v16 =	vshll.u32 v59, $0x3;
	v13 =	vadd.s32 v0, v13  }
0x9b: {  	v38 =	vsel vm1, v36, v34;
	vm1 =	vgt.s32 v57, $0x2FF;
	v16 =	vand.u32 $0xFFFFFC00, v16  }
0x9c: {  	v34 =	vadd.s32 $0xFFFFFD16, v1;
	v16 =	vor.u32 v17, v16;
	v17 =	vshll.u32 v62, $0x3  }
0x9d: {  	v24 =	vand.u32 $0xFFFFFC00, v33;
	v17 =	vand.u32 $0xFFFFFC00, v17;
	v16 =	vadd.s32 v0, v16;
	v63 =	vld.idx.msk [tilespmem:v12+s17+$0x0], $0xffff  }
0x9e: {  	v4 =	vadd.f32 v49, v4;
	v17 =	vor.u32 v20, v17;
	v20 =	vshll.u32 v27, $0x3;
	v12 =	vld.idx.msk [tilespmem:v12+s23+$0x0], $0xffff  }
0x9f: {  	v2 =	vadd.f32 v52, v2;
	v10 =	vadd.f32 v18, v10;
	v20 =	vand.u32 $0xFFFFFC00, v20;
	v32 =	vld.idx.msk [tilespmem:v13+s17+$0x0], $0xffff  }
0xa0: {  	v27 =	vadd.s32 $0xFFFFFD14, v1;
	v20 =	vor.u32 v21, v20;
	v13 =	vld.idx.msk [tilespmem:v13+s23+$0x0], $0xffff;
	v21 =	vand.u32 $0x7F, v30  }
0xa1: {  	v17 =	vadd.s32 v0, v17;
	v21 =	vor.u32 v21, v24;
	v24 =	vshll.u32 v38, $0x3  }
0xa2: {  	v35 =	vld.idx.msk [tilespmem:v16+s17+$0x0], $0xffff;
	v37 =	vadd.s32 v0, v21;
	v21 =	vand.u32 $0x7F, v38;
	v24 =	vand.u32 $0xFFFFFC00, v24  }
0xa3: {  	v20 =	vadd.s32 v0, v20;
	v16 =	vld.idx.msk [tilespmem:v16+s23+$0x0], $0xffff;
	v21 =	vor.u32 v21, v24;
	v31 =	vmul.f32 v12, v63  }
0xa4: {  	v24 =	vadd.s32 $0xFFFFFD13, v1;
	v19 =	vmul.f32 v63, v63;
	v12 =	vmul.f32 v12, v12  }
0xa5: {  	v21 =	vadd.s32 v0, v21;
	v40 =	vmul.f32 v13, v32;
	v42 =	vmul.f32 v32, v32  }
0xa6: {  	v39 =	vld.idx.msk [tilespmem:v17+s17+$0x0], $0xffff;
	v13 =	vmul.f32 v13, v13;
	v32 =	vadd.s32 $0x16, v1;
	v7 =	vadd.f32 v31, v7  }
0xa7: {  	v17 =	vld.idx.msk [tilespmem:v17+s23+$0x0], $0xffff;
	v3 =	vadd.f32 v19, v3;
	v9 =	vadd.f32 v12, v46;
	v12 =	vsel vm1, v58, v57  }
0xa8: {  	vm1 =	vgt.s32 v60, $0x2FF;
	v14 =	vadd.f32 v40, v14;
	v43 =	vmul.f32 v16, v35  }
0xa9: {  	v8 =	vadd.f32 v42, v8;
	v45 =	vmul.f32 v35, v35;
	v16 =	vmul.f32 v16, v16  }
0xaa: {  	v13 =	vadd.f32 v13, v15;
	v62 =	vsel vm1, v61, v60;
	vm1 =	vgt.s32 v23, $0x2FF  }
0xab: {  	v41 =	vld.idx.msk [tilespmem:v20+s17+$0x0], $0xffff;
	v35 =	vadd.s32 $0x17, v1;
	v1 =	vadd.s32 $0xFFFFFD17, v1;
	v22 =	vshll.u32 v62, $0x3  }
0xac: {  	v20 =	vld.idx.msk [tilespmem:v20+s23+$0x0], $0xffff;
	v15 =	vand.u32 $0x7F, v62;
	v6 =	vadd.f32 v43, v6;
	v46 =	vmul.f32 v17, v39  }
0xad: {  	v44 =	vld.idx.msk [tilespmem:v37+s17+$0x0], $0xffff;
	v11 =	vadd.f32 v45, v11;
	v5 =	vadd.f32 v16, v5;
	v48 =	vmul.f32 v17, v17  }
0xae: {  	v18 =	vld.idx.msk [tilespmem:v37+s23+$0x0], $0xffff;
	v16 =	vand.u32 $0x7F, v12;
	v12 =	vshll.u32 v12, $0x3;
	v17 =	vand.u32 $0xFFFFFC00, v22  }
0xaf: {  	v47 =	vmul.f32 v39, v39;
	v12 =	vand.u32 $0xFFFFFC00, v12;
	v15 =	vor.u32 v15, v17  }
0xb0: {  	v17 =	vsel vm1, v24, v23;
	vm1 =	vgt.s32 v25, $0x2FF;
	v4 =	vadd.f32 v46, v4  }
0xb1: {  	v49 =	vmul.f32 v20, v41;
	v2 =	vadd.f32 v47, v2;
	v51 =	vmul.f32 v41, v41  }
0xb2: {  	v52 =	vmul.f32 v20, v20;
	v10 =	vadd.f32 v48, v10;
	v12 =	vor.u32 v16, v12  }
0xb3: {  	v15 =	vadd.s32 v0, v15;
	v26 =	vshll.u32 v17, $0x3;
	v54 =	vmul.f32 v18, v44  }
0xb4: {  	v50 =	vld.idx.msk [tilespmem:v21+s17+$0x0], $0xffff;
	v17 =	vand.u32 $0x7F, v17;
	v55 =	vmul.f32 v44, v44;
	v56 =	vmul.f32 v18, v18  }
0xb5: {  	v53 =	vld.idx.msk [tilespmem:v21+s23+$0x0], $0xffff;
	v12 =	vadd.s32 v0, v12;
	v19 =	vand.u32 $0xFFFFFC00, v26;
	v18 =	vsel vm1, v27, v25  }
0xb6: {  	vm1 =	vgt.s32 v28, $0x2FF;
	v7 =	vadd.f32 v49, v7;
	v3 =	vadd.f32 v51, v3  }
0xb7: {  	v9 =	vadd.f32 v52, v9;
	v21 =	vand.u32 $0x7F, v18;
	v18 =	vshll.u32 v18, $0x3  }
0xb8: {  	v17 =	vor.u32 v17, v19;
	v30 =	vsel vm1, v29, v28;
	v14 =	vadd.f32 v54, v14  }
0xb9: {  	vm1 =	vgt.s32 v32, $0x2FF;
	v8 =	vadd.f32 v55, v8;
	v13 =	vadd.f32 v56, v13  }
0xba: {  	v59 =	vmul.f32 v53, v50;
	v63 =	vmul.f32 v50, v50;
	v18 =	vand.u32 $0xFFFFFC00, v18  }
0xbb: {  	v17 =	vadd.s32 v0, v17;
	v31 =	vshll.u32 v30, $0x3;
	v19 =	vand.u32 $0x7F, v30  }
0xbc: {  	v20 =	vmul.f32 v53, v53;
	v18 =	vor.u32 v21, v18;
	v21 =	vand.u32 $0xFFFFFC00, v31;
	v36 =	vld.idx.msk [tilespmem:v15+s17+$0x0], $0xffff  }
0xbd: {  	v6 =	vadd.f32 v59, v6;
	v18 =	vadd.s32 v0, v18;
	v19 =	vor.u32 v19, v21;
	v15 =	vld.idx.msk [tilespmem:v15+s23+$0x0], $0xffff  }
0xbe: {  	v21 =	vsel vm1, v34, v32;
	vm1 =	vgt.s32 v35, $0x2FF;
	v11 =	vadd.f32 v63, v11;
	v33 =	vld.idx.msk [tilespmem:v12+s17+$0x0], $0xffff  }
0xbf: {  	v5 =	vadd.f32 v20, v5;
	v12 =	vld.idx.msk [tilespmem:v12+s23+$0x0], $0xffff;
	v19 =	vadd.s32 v0, v19;
	v37 =	vshll.u32 v21, $0x3  }
0xc0: {  	v21 =	vand.u32 $0x7F, v21;
	v1 =	vsel vm1, v1, v35;
	v25 =	vand.u32 $0xFFFFFC00, v37;
	v38 =	vld.idx.msk [tilespmem:v17+s17+$0x0], $0xffff  }
0xc1: {  	v39 =	vshll.u32 v1, $0x3;
	v1 =	vand.u32 $0x7F, v1;
	v21 =	vor.u32 v21, v25;
	v17 =	vld.idx.msk [tilespmem:v17+s23+$0x0], $0xffff  }
0xc2: {  	v25 =	vand.u32 $0xFFFFFC00, v39;
	v21 =	vadd.s32 v0, v21;
	v41 =	vld.idx.msk [tilespmem:v18+s17+$0x0], $0xffff;
	v43 =	vmul.f32 v15, v36  }
0xc3: {  	v1 =	vor.u32 v1, v25;
	v18 =	vld.idx.msk [tilespmem:v18+s23+$0x0], $0xffff;
	v45 =	vmul.f32 v36, v36;
	v15 =	vmul.f32 v15, v15  }
0xc4: {  	v1 =	vadd.s32 v0, v1;
	v40 =	vmul.f32 v12, v33;
	v42 =	vmul.f32 v33, v33;
	v44 =	vld.idx.msk [tilespmem:v19+s17+$0x0], $0xffff  }
0xc5: {  	v12 =	vmul.f32 v12, v12;
	v19 =	vld.idx.msk [tilespmem:v19+s23+$0x0], $0xffff;
	v7 =	vadd.f32 v43, v7;
	v3 =	vadd.f32 v45, v3  }
0xc6: {  	v9 =	vadd.f32 v15, v9;
	v4 =	vadd.f32 v40, v4;
	v46 =	vmul.f32 v17, v38  }
0xc7: {  	v2 =	vadd.f32 v42, v2;
	v10 =	vadd.f32 v12, v10;
	v48 =	vmul.f32 v38, v38;
	v47 =	vld.idx.msk [tilespmem:v21+s17+$0x0], $0xffff  }
0xc8: {  	v50 =	vmul.f32 v17, v17;
	v49 =	vld.idx.msk [tilespmem:v21+s23+$0x0], $0xffff;
	v12 =	vadd.f32 v46, v14;
	v51 =	vmul.f32 v18, v41  }
0xc9: {  	v52 =	vld.idx.msk [tilespmem:v1+s17+$0x0], $0xffff;
	v8 =	vadd.f32 v48, v8;
	v53 =	vmul.f32 v41, v41;
	v18 =	vmul.f32 v18, v18  }
0xca: {  	v1 =	vld.idx.msk [tilespmem:v1+s23+$0x0], $0xffff;
	v13 =	vadd.f32 v50, v13;
	v54 =	vmul.f32 v19, v44;
	v55 =	vmul.f32 v44, v44  }
0xcb: {  	v56 =	vmul.f32 v19, v19;
	v6 =	vadd.f32 v51, v6;
	v11 =	vadd.f32 v53, v11  }
0xcc: {  	v5 =	vadd.f32 v18, v5;
	v4 =	vadd.f32 v54, v4  }
0xcd: {  	v2 =	vadd.f32 v55, v2;
	v10 =	vadd.f32 v56, v10;
	v57 =	vmul.f32 v49, v47  }
0xce: {  	v58 =	vmul.f32 v47, v47;
	v59 =	vmul.f32 v49, v49;
	v4 =	vadd.f32 v4, v6  }
0xcf: {  	v60 =	vmul.f32 v1, v52;
	v2 =	vadd.f32 v2, v11;
	v5 =	vadd.f32 v10, v5  }
0xd0: {  	v61 =	vmul.f32 v52, v52;
	v7 =	vadd.f32 v57, v7;
	v3 =	vadd.f32 v58, v3  }
0xd1: {  	v1 =	vmul.f32 v1, v1;
	v9 =	vadd.f32 v59, v9;
	v12 =	vadd.f32 v60, v12  }
0xd2: {  	v62 =	vadd.f32 v61, v8;
	v4 =	vadd.f32 v7, v4  }
0xd3: {  	v1 =	vadd.f32 v1, v13;
	v2 =	vadd.f32 v3, v2  }
0xd4: {  	v63 =	vadd.f32 v9, v5;
	v3 =	vadd.f32 v12, v4  }
0xd5: {  	v2 =	vadd.f32 v62, v2  }
0xd6: {  	v1 =	vadd.f32 v1, v63;
	[tilespmem:$0x6100] =	vst v3  }
0xd7: {  	[tilespmem:$0x6180] =	vst v2  }
0xd8: {  	[tilespmem:$0x6200] =	vst v1  }
0xd9: {  	[hbm4b:s11+s4] =	stream.linear.scatter [tilespmem:s0], [sflag:$0x3], $0x10, $0x38;
	[tilespmem:$0x6280] =	vst v63  }
0xda: {  	_ =	swait.ge [sflag:s15], $0x10  }
0xdb: {  	[sflag:s15] =	ssyncset.done $0x0  }
0xdc: {  	[sflag:s15] =	ssyncadd.s32 $0xFFFFFFF0  }
0xdd: {  	[hbm4b:s12+s4] =	stream.linear.scatter [tilespmem:s3], [sflag:$0x3], $0x10, $0x38;
	[tilespmem:$0x6280] =	vst v63  }
0xde: {  	s18 =	sadd.s32 $0x1, s18;
	_ =	swait.ge [sflag:s15], $0x10  }
0xdf: {  	p0 =	sne.s32 s18, s14;
	[sflag:s15] =	ssyncset.done $0x0  }
.Ltmp1:
0xe0: {  	[sflag:s15] =	ssyncadd.s32 $0xFFFFFFF0;
	(pc) =	sbr.rel @p0 .LBB2_1-.Ltmp1, $4  }
0xe1: {  	[hbm4b:s13+s4] =	stream.linear.scatter [tilespmem:s16], [sflag:$0x3], $0x10, $0x38;
	[tilespmem:$0x6280] =	vst v63  }
0xe2: {  	_ =	swait.ge [sflag:s15], $0x10  }
0xe3: {  	[sflag:s15] =	ssyncset.done $0x0  }
0xe4: {  	[sflag:s15] =	ssyncadd.s32 $0xFFFFFFF0  }
0xe5: {  	_ =	sfence.sel $0x180000  }
0xe6: {  	[bflag:$0x0] =	sbarrier.arrive $0xFFFF  }
0xe7: {  	_ =	strace $0x90000047  }
0xe8: {  	s0 =	stileid.u32;
	[bflag:$0x2] =	sbarrier.arrive $0xFFFF  }
0xe9: {  	p0 =	sne.s32 s0, $0x0;
	s0 =	rddreg [dreg:$0x3]  }
0xea: {  	s0 =	sadd.s32 @!p0 $0x100000, s0  }
0xeb: {  	[sflag:s0] =	ssyncadd.tile.s32 @!p0 $0x1;
	_ =	shalt  }
.Lfunc_end2:
_tile_overlayer_lowered:
.L_overlay_start_2:
0xec: {  	(tag) =	ssettag $0x2  }
0xed: {  	s0 =	rddreg [dreg:$0x0];
	s2 =	stileid.u32  }
0xee: {  	s1 =	rddreg [dreg:$0x1];
	p0 =	sne.s32 s2, $0x0  }
0xef: {  	s3 =	rddreg [dreg:$0x2];
	[bflag:$0x3] =	sbarrier.arrive $0xFFFF;
	s2 =	simm.s32 @!p0 $0x1C03  }
0xf0: {  	[timem:s3], [sflag:s2] =	dma.local @!p0 [hbm:s0], s1  }
0xf1: {  	s0 =	simm.s32 @!p0 $0x3  }
0xf2: {  	_ =	swait.ge @!p0 [sflag:s0], s1  }
0xf3: {  	s1 =	ssub.s32 @!p0 $0x0, s1;
	[sflag:s0] =	ssyncset.done @!p0 $0x0  }
0xf4: {  	[sflag:s0] =	ssyncadd.s32 @!p0 s1  }
0xf5: {  	[bflag:$0x3] =	sbarrier.arrive $0xFFFF  }
0xf6: {  	_ =	shalt  }

</sc_bundles>
